<compile_context>
chip_gen: v7x
topology: tpu7x:2x2x1
jax: 0.10.2.dev20260603
libtpu: 0.0.44.dev20260713+nightly
codegen_flags: <defaults>
</compile_context>

<pallas_src>
import functools

import jax
import jax.numpy as jnp
from jax import lax
from jax.experimental import pallas as pl
from jax.experimental.pallas import tpu as pltpu
from jax.experimental.pallas import tpu_sc as plsc

N = 10000
E = 320000
DF = 128
DE = 16
DT = 16
DA = DE + DT
DO = 128

NC = 2
NS = 16
NPAD = 10240
ROWS_PER_TILE = NPAD // NS
EDGES_PER_CORE = E // NC
EDGES_PER_TILE = EDGES_PER_CORE // NS
CHUNK = 88
NCHUNKS = EDGES_PER_TILE // CHUNK
TAIL = EDGES_PER_TILE - NCHUNKS * CHUNK
NSLOTS = 2


def _sc_aggregate(row, col, x, eat):
  mesh = plsc.VectorSubcoreMesh(core_axis_name="c", subcore_axis_name="s")

  slot_scratch = []
  for _ in range(NSLOTS):
    slot_scratch += [
        pltpu.VMEM((CHUNK,), jnp.int32),
        pltpu.VMEM((CHUNK,), jnp.int32),
        pltpu.VMEM((CHUNK, DF), jnp.float32),
        pltpu.VMEM((CHUNK, DA), jnp.float32),
        pltpu.SemaphoreType.DMA,
        pltpu.SemaphoreType.DMA,
        pltpu.SemaphoreType.DMA,
    ]

  @functools.partial(
      pl.kernel,
      out_type=(
          jax.ShapeDtypeStruct((NC, NPAD, DF), jnp.float32),
          jax.ShapeDtypeStruct((NC, NPAD, DA), jnp.float32),
      ),
      mesh=mesh,
      compiler_params=pltpu.CompilerParams(use_tc_tiling_on_sc=False),
      scratch_types=slot_scratch + [
          pltpu.VMEM_SHARED((NPAD, DF), jnp.float32),
          pltpu.VMEM_SHARED((NPAD, DA), jnp.float32),
      ],
  )
  def agg_kernel(row_h, col_h, x_h, eat_h, px_h, pat_h, *sc):
    rows = [sc[7 * k + 0] for k in range(NSLOTS)]
    cols = [sc[7 * k + 1] for k in range(NSLOTS)]
    xrs = [sc[7 * k + 2] for k in range(NSLOTS)]
    eats = [sc[7 * k + 3] for k in range(NSLOTS)]
    sis = [sc[7 * k + 4] for k in range(NSLOTS)]
    sgs = [sc[7 * k + 5] for k in range(NSLOTS)]
    sss = [sc[7 * k + 6] for k in range(NSLOTS)]
    aggx = sc[7 * NSLOTS]
    aggat = sc[7 * NSLOTS + 1]

    c = lax.axis_index("c")
    s = lax.axis_index("s")
    rbase = s * ROWS_PER_TILE

    zeros16 = jnp.zeros((16,), jnp.float32)

    @pl.loop(0, 80)
    def _(i):
      @pl.loop(0, DA // 16)
      def _(k):
        eats[0][i, pl.ds(k * 16, 16)] = zeros16

      @pl.loop(0, DF // 16)
      def _(k):
        xrs[0][i, pl.ds(k * 16, 16)] = zeros16

    @pl.loop(0, ROWS_PER_TILE // 80)
    def _(k):
      pltpu.sync_copy(xrs[0].at[pl.ds(0, 80)],
                      aggx.at[pl.ds(rbase + k * 80, 80)])
      pltpu.sync_copy(eats[0].at[pl.ds(0, 80)],
                      aggat.at[pl.ds(rbase + k * 80, 80)])

    plsc.subcore_barrier()

    ebase = c * EDGES_PER_CORE + s * EDGES_PER_TILE
    last = NCHUNKS - 1

    def idx_start(j, b, n=CHUNK):
      off = ebase + jnp.minimum(j, last) * CHUNK
      pltpu.async_copy(row_h.at[pl.ds(off, n)], rows[b].at[pl.ds(0, n)], sis[b])
      pltpu.async_copy(col_h.at[pl.ds(off, n)], cols[b].at[pl.ds(0, n)], sis[b])
      pltpu.async_copy(eat_h.at[pl.ds(off, n)], eats[b].at[pl.ds(0, n)], sis[b])

    def idx_wait(b, n=CHUNK):
      pltpu.make_async_copy(row_h.at[pl.ds(0, n)], rows[b].at[pl.ds(0, n)],
                            sis[b]).wait()
      pltpu.make_async_copy(col_h.at[pl.ds(0, n)], cols[b].at[pl.ds(0, n)],
                            sis[b]).wait()
      pltpu.make_async_copy(eat_h.at[pl.ds(0, n)], eats[b].at[pl.ds(0, n)],
                            sis[b]).wait()

    def tail_start(b):
      off = ebase + NCHUNKS * CHUNK
      pltpu.async_copy(row_h.at[pl.ds(off, TAIL)], rows[b].at[pl.ds(0, TAIL)],
                       sis[b])
      pltpu.async_copy(col_h.at[pl.ds(off, TAIL)], cols[b].at[pl.ds(0, TAIL)],
                       sis[b])
      pltpu.async_copy(eat_h.at[pl.ds(off, TAIL)], eats[b].at[pl.ds(0, TAIL)],
                       sis[b])

    def gather_start(b, n=CHUNK):
      pltpu.async_copy(x_h.at[cols[b].at[pl.ds(0, n)]],
                       xrs[b].at[pl.ds(0, n)], sgs[b])

    def gather_wait(b, n=CHUNK):
      pltpu.make_async_copy(x_h.at[cols[b].at[pl.ds(0, n)]],
                            xrs[b].at[pl.ds(0, n)], sgs[b]).wait()

    def scat_start(b, n=CHUNK):
      pltpu.async_copy(xrs[b].at[pl.ds(0, n)],
                       aggx.at[rows[b].at[pl.ds(0, n)]], sss[b], add=True)
      pltpu.async_copy(eats[b].at[pl.ds(0, n)],
                       aggat.at[rows[b].at[pl.ds(0, n)]], sss[b], add=True)

    def scat_wait(b, n=CHUNK):
      pltpu.make_async_copy(xrs[b].at[pl.ds(0, n)],
                            aggx.at[rows[b].at[pl.ds(0, n)]], sss[b]).wait()
      pltpu.make_async_copy(eats[b].at[pl.ds(0, n)],
                            aggat.at[rows[b].at[pl.ds(0, n)]], sss[b]).wait()

    idx_start(0, 0)
    idx_start(1, 1)

    @pl.loop(0, (NCHUNKS - 1) // 2)
    def _(i):
      a = 2 * i
      idx_wait(0)
      gather_start(0)
      idx_wait(1)
      gather_start(1)
      gather_wait(0)
      scat_start(0)
      gather_wait(1)
      scat_start(1)
      scat_wait(0)
      idx_start(a + 2, 0)
      scat_wait(1)
      idx_start(jnp.minimum(a + 3, NCHUNKS - 1), 1)

    idx_wait(0)
    gather_start(0)
    idx_wait(1)
    tail_start(1)
    gather_wait(0)
    scat_start(0)
    idx_wait(1, TAIL)
    gather_start(1, TAIL)
    gather_wait(1, TAIL)
    scat_wait(0)
    scat_start(1, TAIL)
    scat_wait(1, TAIL)

    plsc.subcore_barrier()
    pltpu.sync_copy(aggx.at[pl.ds(rbase, ROWS_PER_TILE)],
                    px_h.at[c, pl.ds(rbase, ROWS_PER_TILE)])
    pltpu.sync_copy(aggat.at[pl.ds(rbase, ROWS_PER_TILE)],
                    pat_h.at[c, pl.ds(rbase, ROWS_PER_TILE)])

  return agg_kernel(row, col, x, eat)


BLK = 1000


def _tc_concat(edge_attr, edge_t):
  eblk = 8000

  def body(ea_r, et_r, o_r):
    o_r[:, :DE] = ea_r[...]
    o_r[:, DE:] = et_r[...]

  return pl.pallas_call(
      body,
      grid=(E // eblk,),
      in_specs=[
          pl.BlockSpec((eblk, DE), lambda i: (i, 0)),
          pl.BlockSpec((eblk, DT), lambda i: (i, 0)),
      ],
      out_specs=pl.BlockSpec((eblk, DA), lambda i: (i, 0)),
      out_shape=jax.ShapeDtypeStruct((E, DA), jnp.float32),
  )(edge_attr, edge_t)


def _tc_combine(px, pat, x, wmx, wmat, wr, bm, br):
  def body(px_r, pat_r, x_r, wmx_r, wmat_r, wr_r, bm_r, br_r, o_r):
    aggx = px_r[0] + px_r[1]
    aggat = pat_r[0] + pat_r[1]
    acc = jnp.dot(aggx, wmx_r[...], preferred_element_type=jnp.float32)
    acc = acc + jnp.dot(aggat, wmat_r[...], preferred_element_type=jnp.float32)
    acc = 0.5 * (acc + bm_r[...])
    acc = acc + jnp.dot(x_r[...], wr_r[...], preferred_element_type=jnp.float32)
    o_r[...] = acc + br_r[...]

  return pl.pallas_call(
      body,
      grid=(N // BLK,),
      in_specs=[
          pl.BlockSpec((NC, BLK, DF), lambda i: (0, i, 0)),
          pl.BlockSpec((NC, BLK, DA), lambda i: (0, i, 0)),
          pl.BlockSpec((BLK, DF), lambda i: (i, 0)),
          pl.BlockSpec((DF, DO), lambda i: (0, 0)),
          pl.BlockSpec((DA, DO), lambda i: (0, 0)),
          pl.BlockSpec((DF, DO), lambda i: (0, 0)),
          pl.BlockSpec((1, DO), lambda i: (0, 0)),
          pl.BlockSpec((1, DO), lambda i: (0, 0)),
      ],
      out_specs=pl.BlockSpec((BLK, DO), lambda i: (i, 0)),
      out_shape=jax.ShapeDtypeStruct((N, DO), jnp.float32),
  )(px, pat, x, wmx, wmat, wr, bm, br)


def kernel(x, edge_index, edge_attr, edge_t, W_m, b_m, W_r, b_r):
  ei = edge_index.astype(jnp.int32)
  eat = jnp.concatenate([edge_attr, edge_t], axis=1)
  px, pat = _sc_aggregate(ei[0], ei[1], x, eat)
  wmx = W_m[:DF]
  wmat = W_m[DF:]
  bm = b_m.reshape(1, DO)
  br = b_r.reshape(1, DO)
  return _tc_combine(px, pat, x, wmx, wmat, W_r, bm, br)

# --- scband reference (transcript-rebuilt; emitter-appended) ---
"""Pipeline reference for scband-sageconv-40364102647896 (READ-ONLY COPY).

The authoritative reference and input builder live on the scoring server;
editing this copy changes nothing except your own understanding.
"""

import jax, jax.numpy as jnp
import numpy as np

N_NODES = 10000
N_EDGES = 320000
D_FEAT = 128
D_EDGE = 16
D_T = 16
D_OUT = 128
D_MSG = D_FEAT + D_EDGE + D_T  # 160


def setup_inputs(seed: int = 0) -> dict:
    key = jax.random.key(seed)
    ks = jax.random.split(key, 8)
    x = jax.random.normal(ks[0], (N_NODES, D_FEAT), dtype=jnp.float32)
    edge_index = jax.random.randint(ks[1], (2, N_EDGES), 0, N_NODES, dtype=jnp.int64)
    edge_attr = jax.random.normal(ks[2], (N_EDGES, D_EDGE), dtype=jnp.float32)
    edge_t = jax.random.normal(ks[3], (N_EDGES, D_T), dtype=jnp.float32)
    # learned params (Linear stores weight as [out, in]; we keep [in, out] for jnp matmul)
    W_m = jax.random.normal(ks[4], (D_MSG, D_OUT), dtype=jnp.float32) / np.sqrt(D_MSG)
    b_m = jnp.zeros((D_OUT,), dtype=jnp.float32)
    W_r = jax.random.normal(ks[5], (D_FEAT, D_OUT), dtype=jnp.float32) / np.sqrt(D_FEAT)
    b_r = jnp.zeros((D_OUT,), dtype=jnp.float32)
    return {"x": x, "edge_index": edge_index, "edge_attr": edge_attr, "edge_t": edge_t,
            "W_m": W_m, "b_m": b_m, "W_r": W_r, "b_r": b_r}


def reference(x, edge_index, edge_attr, edge_t, W_m, b_m, W_r, b_r):
    row = edge_index[0]
    col = edge_index[1]
    # gather source-node features and concatenate edge features
    x_j = jnp.concatenate([jnp.take(x, col, axis=0), edge_attr, edge_t], axis=1)
    # scatter-sum into destination nodes
    agg = jax.ops.segment_sum(x_j, row, num_segments=x.shape[0])
    x_j_lin = agg @ W_m + b_m
    x_i = x @ W_r + b_r
    out = 0.5 * x_j_lin + x_i
    # normalize=False -> no-op
    return out

if __name__ == "__main__":
    import jax
    _d = setup_inputs()
    print(jax.jit(kernel)(*tuple(_d.values())))

</pallas_src>

<mosaic_0001>
#map = affine_map<(d0, d1) -> (0)>
#map1 = affine_map<(d0, d1) -> (0, 0)>
#map2 = affine_map<(d0, d1) -> (0, 0, 0)>
module attributes {stable_mosaic.version = 14 : i64} {
  func.func @agg_kernel(%arg0: i32, %arg1: i32, %arg2: memref<320000xi32, #tpu.memory_space<hbm>>, %arg3: memref<320000xi32, #tpu.memory_space<hbm>>, %arg4: memref<10000x128xf32, #tpu.memory_space<hbm>>, %arg5: memref<320000x32xf32, #tpu.memory_space<hbm>>, %arg6: memref<2x10240x128xf32, #tpu.memory_space<hbm>>, %arg7: memref<2x10240x32xf32, #tpu.memory_space<hbm>>, %arg8: memref<88xi32, #tpu.memory_space<vmem>>, %arg9: memref<88xi32, #tpu.memory_space<vmem>>, %arg10: memref<88x128xf32, #tpu.memory_space<vmem>>, %arg11: memref<88x32xf32, #tpu.memory_space<vmem>>, %arg12: memref<!tpu.dma_semaphore, #tpu.memory_space<semaphore_mem>>, %arg13: memref<!tpu.dma_semaphore, #tpu.memory_space<semaphore_mem>>, %arg14: memref<!tpu.dma_semaphore, #tpu.memory_space<semaphore_mem>>, %arg15: memref<88xi32, #tpu.memory_space<vmem>>, %arg16: memref<88xi32, #tpu.memory_space<vmem>>, %arg17: memref<88x128xf32, #tpu.memory_space<vmem>>, %arg18: memref<88x32xf32, #tpu.memory_space<vmem>>, %arg19: memref<!tpu.dma_semaphore, #tpu.memory_space<semaphore_mem>>, %arg20: memref<!tpu.dma_semaphore, #tpu.memory_space<semaphore_mem>>, %arg21: memref<!tpu.dma_semaphore, #tpu.memory_space<semaphore_mem>>, %arg22: memref<10240x128xf32, #tpu.memory_space<vmem_shared>>, %arg23: memref<10240x32xf32, #tpu.memory_space<vmem_shared>>) attributes {dimension_semantics = [#tpu.dimension_semantics<core_parallel>, #tpu.dimension_semantics<subcore_parallel>], iteration_bounds = array<i64: 2, 16>, scalar_prefetch = 0 : i64, scratch_operands = 16 : i64, tpu.core_type = #tpu.core_type<sc_vector_subcore>, window_params = [{transform_indices = #map}, {transform_indices = #map}, {transform_indices = #map1}, {transform_indices = #map1}, {transform_indices = #map2}, {transform_indices = #map2}]} {
    %mul3A = arith.constant 640 : i32
    %mul3A_0 = arith.muli %arg1, %mul3A : i32
    %broadcast_in_dim3A = arith.constant 0.000000e+00 : f32
    %broadcast_in_dim3A_1 = vector.broadcast %broadcast_in_dim3A : f32 to vector<16xf32>
    %scan3A = arith.constant 0 : i32
    %scan3A_2 = arith.constant 80 : i32
    %scan3A_3 = arith.addi %scan3A, %scan3A_2 : i32
    %scan3A_4 = arith.constant 1 : i32
    scf.for %scan3A_278 = %scan3A to %scan3A_3 step %scan3A_4  : i32 {
      %mul3A_279 = arith.constant 1 : i32
      %mul3A_280 = arith.muli %scan3A_278, %mul3A_279 : i32
      %add3A_281 = arith.constant 0 : i32
      %add3A_282 = arith.addi %add3A_281, %mul3A_280 : i32
      %scan3A_283 = arith.constant 0 : i32
      %scan3A_284 = arith.constant 2 : i32
      %scan3A_285 = arith.addi %scan3A_283, %scan3A_284 : i32
      %scan3A_286 = arith.constant 1 : i32
      scf.for %scan3A_293 = %scan3A_283 to %scan3A_285 step %scan3A_286  : i32 {
        %mul3A_294 = arith.constant 1 : i32
        %mul3A_295 = arith.muli %scan3A_293, %mul3A_294 : i32
        %add3A_296 = arith.constant 0 : i32
        %add3A_297 = arith.addi %add3A_296, %mul3A_295 : i32
        %mul3A_298 = arith.constant 16 : i32
        %mul3A_299 = arith.muli %add3A_297, %mul3A_298 : i32
        %swap3A = arith.index_cast %add3A_282 : i32 to index
        %swap3A_300 = arith.index_cast %mul3A_299 : i32 to index
        %swap3A_301 = tpu.vector_load %arg11[%swap3A, %swap3A_300] {strides = array<i32>} : memref<88x32xf32, #tpu.memory_space<vmem>>, vector<1x16xf32>,
        %swap3A_302 = vector.shape_cast %swap3A_301 : vector<1x16xf32> to vector<16xf32>
        %swap3A_303 = vector.shape_cast %broadcast_in_dim3A_1 : vector<16xf32> to vector<1x16xf32>
        tpu.vector_store %arg11[%swap3A, %swap3A_300], %swap3A_303 {strides = array<i32>} : memref<88x32xf32, #tpu.memory_space<vmem>>, vector<1x16xf32>,
      }
      %scan3A_287 = arith.constant 2 : i32
      %scan3A_288 = arith.constant 0 : i32
      %scan3A_289 = arith.constant 8 : i32
      %scan3A_290 = arith.addi %scan3A_288, %scan3A_289 : i32
      %scan3A_291 = arith.constant 1 : i32
      scf.for %scan3A_293 = %scan3A_288 to %scan3A_290 step %scan3A_291  : i32 {
        %mul3A_294 = arith.constant 1 : i32
        %mul3A_295 = arith.muli %scan3A_293, %mul3A_294 : i32
        %add3A_296 = arith.constant 0 : i32
        %add3A_297 = arith.addi %add3A_296, %mul3A_295 : i32
        %mul3A_298 = arith.constant 16 : i32
        %mul3A_299 = arith.muli %add3A_297, %mul3A_298 : i32
        %swap3A = arith.index_cast %add3A_282 : i32 to index
        %swap3A_300 = arith.index_cast %mul3A_299 : i32 to index
        %swap3A_301 = tpu.vector_load %arg10[%swap3A, %swap3A_300] {strides = array<i32>} : memref<88x128xf32, #tpu.memory_space<vmem>>, vector<1x16xf32>,
        %swap3A_302 = vector.shape_cast %swap3A_301 : vector<1x16xf32> to vector<16xf32>
        %swap3A_303 = vector.shape_cast %broadcast_in_dim3A_1 : vector<16xf32> to vector<1x16xf32>
        tpu.vector_store %arg10[%swap3A, %swap3A_300], %swap3A_303 {strides = array<i32>} : memref<88x128xf32, #tpu.memory_space<vmem>>, vector<1x16xf32>,
      }
      %scan3A_292 = arith.constant 8 : i32
    }
    %scan3A_5 = arith.constant 80 : i32
    %scan3A_6 = arith.constant 0 : i32
    %scan3A_7 = arith.constant 8 : i32
    %scan3A_8 = arith.addi %scan3A_6, %scan3A_7 : i32
    %scan3A_9 = arith.constant 1 : i32
    scf.for %scan3A_278 = %scan3A_6 to %scan3A_8 step %scan3A_9  : i32 {
      %mul3A_279 = arith.constant 1 : i32
      %mul3A_280 = arith.muli %scan3A_278, %mul3A_279 : i32
      %add3A_281 = arith.constant 0 : i32
      %add3A_282 = arith.addi %add3A_281, %mul3A_280 : i32
      %mul3A_283 = arith.constant 80 : i32
      %mul3A_284 = arith.muli %add3A_282, %mul3A_283 : i32
      %add3A_285 = arith.addi %mul3A_0, %mul3A_284 : i32
      "tpu.region"() ({
        %run_scoped3A = tpu.sem_alloc : memref<!tpu.dma_semaphore, #tpu.memory_space<semaphore_mem>>
        %dma_start3A_289 = arith.constant 0 : i32
        %dma_start3A_290 = arith.constant 0 : i32
        %dma_start3A_291 = tpu.memref_slice %arg10[%dma_start3A_289, %dma_start3A_290] : memref<88x128xf32, #tpu.memory_space<vmem>> -> memref<80x128xf32, #tpu.memory_space<vmem>>
        %dma_start3A_292 = arith.constant 0 : i32
        %dma_start3A_293 = tpu.memref_slice %arg22[%add3A_285, %dma_start3A_292] : memref<10240x128xf32, #tpu.memory_space<vmem_shared>> -> memref<80x128xf32, #tpu.memory_space<vmem_shared>>
        %dma_start3A_294 = arith.constant 0 : i32
        %dma_start3A_295 = tpu.memref_slice %arg22[%add3A_285, %dma_start3A_294] : memref<10240x128xf32, #tpu.memory_space<vmem_shared>> -> memref<80x128xf32, #tpu.memory_space<vmem_shared>>
        %dma_start3A_296 = arith.constant 0 : i32
        %dma_start3A_297 = arith.constant 0 : i32
        %dma_start3A_298 = tpu.memref_slice %arg10[%dma_start3A_296, %dma_start3A_297] : memref<88x128xf32, #tpu.memory_space<vmem>> -> memref<80x128xf32, #tpu.memory_space<vmem>>
        tpu.enqueue_dma source(%dma_start3A_298 : memref<80x128xf32, #tpu.memory_space<vmem>>) target(%dma_start3A_295 : memref<80x128xf32, #tpu.memory_space<vmem_shared>>) target_semaphore(%run_scoped3A : memref<!tpu.dma_semaphore, #tpu.memory_space<semaphore_mem>>)
        %dma_wait3A_299 = arith.constant 0 : i32
        %dma_wait3A_300 = arith.constant 0 : i32
        %dma_wait3A_301 = tpu.memref_slice %arg10[%dma_wait3A_299, %dma_wait3A_300] : memref<88x128xf32, #tpu.memory_space<vmem>> -> memref<80x128xf32, #tpu.memory_space<vmem>>
        %dma_wait3A_302 = arith.constant 0 : i32
        %dma_wait3A_303 = tpu.memref_slice %arg22[%add3A_285, %dma_wait3A_302] : memref<10240x128xf32, #tpu.memory_space<vmem_shared>> -> memref<80x128xf32, #tpu.memory_space<vmem_shared>>
        %dma_wait3A_304 = arith.constant 0 : i32
        %dma_wait3A_305 = tpu.memref_slice %arg22[%add3A_285, %dma_wait3A_304] : memref<10240x128xf32, #tpu.memory_space<vmem_shared>> -> memref<80x128xf32, #tpu.memory_space<vmem_shared>>
        %dma_wait3A_306 = arith.constant 0 : i32
        %dma_wait3A_307 = arith.constant 0 : i32
        %dma_wait3A_308 = tpu.memref_slice %arg10[%dma_wait3A_306, %dma_wait3A_307] : memref<88x128xf32, #tpu.memory_space<vmem>> -> memref<80x128xf32, #tpu.memory_space<vmem>>
        tpu.wait_dma2 semaphore(%run_scoped3A : memref<!tpu.dma_semaphore, #tpu.memory_space<semaphore_mem>>) src(%dma_wait3A_308 : memref<80x128xf32, #tpu.memory_space<vmem>>) dst(%dma_wait3A_305 : memref<80x128xf32, #tpu.memory_space<vmem_shared>>)
        tpu.yield
      }) : () -> ()
      %mul3A_286 = arith.constant 80 : i32
      %mul3A_287 = arith.muli %add3A_282, %mul3A_286 : i32
      %add3A_288 = arith.addi %mul3A_0, %mul3A_287 : i32
      "tpu.region"() ({
        %run_scoped3A = tpu.sem_alloc : memref<!tpu.dma_semaphore, #tpu.memory_space<semaphore_mem>>
        %dma_start3A_289 = arith.constant 0 : i32
        %dma_start3A_290 = arith.constant 0 : i32
        %dma_start3A_291 = tpu.memref_slice %arg11[%dma_start3A_289, %dma_start3A_290] : memref<88x32xf32, #tpu.memory_space<vmem>> -> memref<80x32xf32, #tpu.memory_space<vmem>>
        %dma_start3A_292 = arith.constant 0 : i32
        %dma_start3A_293 = tpu.memref_slice %arg23[%add3A_288, %dma_start3A_292] : memref<10240x32xf32, #tpu.memory_space<vmem_shared>> -> memref<80x32xf32, #tpu.memory_space<vmem_shared>>
        %dma_start3A_294 = arith.constant 0 : i32
        %dma_start3A_295 = tpu.memref_slice %arg23[%add3A_288, %dma_start3A_294] : memref<10240x32xf32, #tpu.memory_space<vmem_shared>> -> memref<80x32xf32, #tpu.memory_space<vmem_shared>>
        %dma_start3A_296 = arith.constant 0 : i32
        %dma_start3A_297 = arith.constant 0 : i32
        %dma_start3A_298 = tpu.memref_slice %arg11[%dma_start3A_296, %dma_start3A_297] : memref<88x32xf32, #tpu.memory_space<vmem>> -> memref<80x32xf32, #tpu.memory_space<vmem>>
        tpu.enqueue_dma source(%dma_start3A_298 : memref<80x32xf32, #tpu.memory_space<vmem>>) target(%dma_start3A_295 : memref<80x32xf32, #tpu.memory_space<vmem_shared>>) target_semaphore(%run_scoped3A : memref<!tpu.dma_semaphore, #tpu.memory_space<semaphore_mem>>)
        %dma_wait3A_299 = arith.constant 0 : i32
        %dma_wait3A_300 = arith.constant 0 : i32
        %dma_wait3A_301 = tpu.memref_slice %arg11[%dma_wait3A_299, %dma_wait3A_300] : memref<88x32xf32, #tpu.memory_space<vmem>> -> memref<80x32xf32, #tpu.memory_space<vmem>>
        %dma_wait3A_302 = arith.constant 0 : i32
        %dma_wait3A_303 = tpu.memref_slice %arg23[%add3A_288, %dma_wait3A_302] : memref<10240x32xf32, #tpu.memory_space<vmem_shared>> -> memref<80x32xf32, #tpu.memory_space<vmem_shared>>
        %dma_wait3A_304 = arith.constant 0 : i32
        %dma_wait3A_305 = tpu.memref_slice %arg23[%add3A_288, %dma_wait3A_304] : memref<10240x32xf32, #tpu.memory_space<vmem_shared>> -> memref<80x32xf32, #tpu.memory_space<vmem_shared>>
        %dma_wait3A_306 = arith.constant 0 : i32
        %dma_wait3A_307 = arith.constant 0 : i32
        %dma_wait3A_308 = tpu.memref_slice %arg11[%dma_wait3A_306, %dma_wait3A_307] : memref<88x32xf32, #tpu.memory_space<vmem>> -> memref<80x32xf32, #tpu.memory_space<vmem>>
        tpu.wait_dma2 semaphore(%run_scoped3A : memref<!tpu.dma_semaphore, #tpu.memory_space<semaphore_mem>>) src(%dma_wait3A_308 : memref<80x32xf32, #tpu.memory_space<vmem>>) dst(%dma_wait3A_305 : memref<80x32xf32, #tpu.memory_space<vmem_shared>>)
        tpu.yield
      }) : () -> ()
    }
    %scan3A_10 = arith.constant 8 : i32
    %barrier3A = arith.constant 0 : index
    tpu.barrier barrier_id(%barrier3A)
    %mul3A_11 = arith.constant 160000 : i32
    %mul3A_12 = arith.muli %arg0, %mul3A_11 : i32
    %mul3A_13 = arith.constant 10000 : i32
    %mul3A_14 = arith.muli %arg1, %mul3A_13 : i32
    %add3A = arith.addi %mul3A_12, %mul3A_14 : i32
    %min3A = arith.constant 0 : i32
    %min3A_15 = arith.constant 112 : i32
    %min3A_16 = arith.minsi %min3A, %min3A_15 : i32
    %mul3A_17 = arith.constant 88 : i32
    %mul3A_18 = arith.muli %min3A_16, %mul3A_17 : i32
    %add3A_19 = arith.addi %add3A, %mul3A_18 : i32
    %dma_start3A = arith.constant 0 : i32
    %dma_start3A_20 = tpu.memref_slice %arg8[%dma_start3A] : memref<88xi32, #tpu.memory_space<vmem>> -> memref<88xi32, #tpu.memory_space<vmem>>
    %dma_start3A_21 = tpu.memref_slice %arg2[%add3A_19] : memref<320000xi32, #tpu.memory_space<hbm>> -> memref<88xi32, #tpu.memory_space<hbm>>
    %dma_start3A_22 = arith.constant 0 : i32
    %dma_start3A_23 = tpu.memref_slice %arg8[%dma_start3A_22] : memref<88xi32, #tpu.memory_space<vmem>> -> memref<88xi32, #tpu.memory_space<vmem>>
    %dma_start3A_24 = tpu.memref_slice %arg2[%add3A_19] : memref<320000xi32, #tpu.memory_space<hbm>> -> memref<88xi32, #tpu.memory_space<hbm>>
    tpu.enqueue_dma source(%dma_start3A_24 : memref<88xi32, #tpu.memory_space<hbm>>) target(%dma_start3A_23 : memref<88xi32, #tpu.memory_space<vmem>>) target_semaphore(%arg12 : memref<!tpu.dma_semaphore, #tpu.memory_space<semaphore_mem>>)
    %dma_start3A_25 = arith.constant 0 : i32
    %dma_start3A_26 = tpu.memref_slice %arg9[%dma_start3A_25] : memref<88xi32, #tpu.memory_space<vmem>> -> memref<88xi32, #tpu.memory_space<vmem>>
    %dma_start3A_27 = tpu.memref_slice %arg3[%add3A_19] : memref<320000xi32, #tpu.memory_space<hbm>> -> memref<88xi32, #tpu.memory_space<hbm>>
    %dma_start3A_28 = arith.constant 0 : i32
    %dma_start3A_29 = tpu.memref_slice %arg9[%dma_start3A_28] : memref<88xi32, #tpu.memory_space<vmem>> -> memref<88xi32, #tpu.memory_space<vmem>>
    %dma_start3A_30 = tpu.memref_slice %arg3[%add3A_19] : memref<320000xi32, #tpu.memory_space<hbm>> -> memref<88xi32, #tpu.memory_space<hbm>>
    tpu.enqueue_dma source(%dma_start3A_30 : memref<88xi32, #tpu.memory_space<hbm>>) target(%dma_start3A_29 : memref<88xi32, #tpu.memory_space<vmem>>) target_semaphore(%arg12 : memref<!tpu.dma_semaphore, #tpu.memory_space<semaphore_mem>>)
    %dma_start3A_31 = arith.constant 0 : i32
    %dma_start3A_32 = arith.constant 0 : i32
    %dma_start3A_33 = tpu.memref_slice %arg11[%dma_start3A_31, %dma_start3A_32] : memref<88x32xf32, #tpu.memory_space<vmem>> -> memref<88x32xf32, #tpu.memory_space<vmem>>
    %dma_start3A_34 = arith.constant 0 : i32
    %dma_start3A_35 = tpu.memref_slice %arg5[%add3A_19, %dma_start3A_34] : memref<320000x32xf32, #tpu.memory_space<hbm>> -> memref<88x32xf32, #tpu.memory_space<hbm>>
    %dma_start3A_36 = arith.constant 0 : i32
    %dma_start3A_37 = arith.constant 0 : i32
    %dma_start3A_38 = tpu.memref_slice %arg11[%dma_start3A_36, %dma_start3A_37] : memref<88x32xf32, #tpu.memory_space<vmem>> -> memref<88x32xf32, #tpu.memory_space<vmem>>
    %dma_start3A_39 = arith.constant 0 : i32
    %dma_start3A_40 = tpu.memref_slice %arg5[%add3A_19, %dma_start3A_39] : memref<320000x32xf32, #tpu.memory_space<hbm>> -> memref<88x32xf32, #tpu.memory_space<hbm>>
    tpu.enqueue_dma source(%dma_start3A_40 : memref<88x32xf32, #tpu.memory_space<hbm>>) target(%dma_start3A_38 : memref<88x32xf32, #tpu.memory_space<vmem>>) target_semaphore(%arg12 : memref<!tpu.dma_semaphore, #tpu.memory_space<semaphore_mem>>)
    %min3A_41 = arith.constant 1 : i32
    %min3A_42 = arith.constant 112 : i32
    %min3A_43 = arith.minsi %min3A_41, %min3A_42 : i32
    %mul3A_44 = arith.constant 88 : i32
    %mul3A_45 = arith.muli %min3A_43, %mul3A_44 : i32
    %add3A_46 = arith.addi %add3A, %mul3A_45 : i32
    %dma_start3A_47 = arith.constant 0 : i32
    %dma_start3A_48 = tpu.memref_slice %arg15[%dma_start3A_47] : memref<88xi32, #tpu.memory_space<vmem>> -> memref<88xi32, #tpu.memory_space<vmem>>
    %dma_start3A_49 = tpu.memref_slice %arg2[%add3A_46] : memref<320000xi32, #tpu.memory_space<hbm>> -> memref<88xi32, #tpu.memory_space<hbm>>
    %dma_start3A_50 = arith.constant 0 : i32
    %dma_start3A_51 = tpu.memref_slice %arg15[%dma_start3A_50] : memref<88xi32, #tpu.memory_space<vmem>> -> memref<88xi32, #tpu.memory_space<vmem>>
    %dma_start3A_52 = tpu.memref_slice %arg2[%add3A_46] : memref<320000xi32, #tpu.memory_space<hbm>> -> memref<88xi32, #tpu.memory_space<hbm>>
    tpu.enqueue_dma source(%dma_start3A_52 : memref<88xi32, #tpu.memory_space<hbm>>) target(%dma_start3A_51 : memref<88xi32, #tpu.memory_space<vmem>>) target_semaphore(%arg19 : memref<!tpu.dma_semaphore, #tpu.memory_space<semaphore_mem>>)
    %dma_start3A_53 = arith.constant 0 : i32
    %dma_start3A_54 = tpu.memref_slice %arg16[%dma_start3A_53] : memref<88xi32, #tpu.memory_space<vmem>> -> memref<88xi32, #tpu.memory_space<vmem>>
    %dma_start3A_55 = tpu.memref_slice %arg3[%add3A_46] : memref<320000xi32, #tpu.memory_space<hbm>> -> memref<88xi32, #tpu.memory_space<hbm>>
    %dma_start3A_56 = arith.constant 0 : i32
    %dma_start3A_57 = tpu.memref_slice %arg16[%dma_start3A_56] : memref<88xi32, #tpu.memory_space<vmem>> -> memref<88xi32, #tpu.memory_space<vmem>>
    %dma_start3A_58 = tpu.memref_slice %arg3[%add3A_46] : memref<320000xi32, #tpu.memory_space<hbm>> -> memref<88xi32, #tpu.memory_space<hbm>>
    tpu.enqueue_dma source(%dma_start3A_58 : memref<88xi32, #tpu.memory_space<hbm>>) target(%dma_start3A_57 : memref<88xi32, #tpu.memory_space<vmem>>) target_semaphore(%arg19 : memref<!tpu.dma_semaphore, #tpu.memory_space<semaphore_mem>>)
    %dma_start3A_59 = arith.constant 0 : i32
    %dma_start3A_60 = arith.constant 0 : i32
    %dma_start3A_61 = tpu.memref_slice %arg18[%dma_start3A_59, %dma_start3A_60] : memref<88x32xf32, #tpu.memory_space<vmem>> -> memref<88x32xf32, #tpu.memory_space<vmem>>
    %dma_start3A_62 = arith.constant 0 : i32
    %dma_start3A_63 = tpu.memref_slice %arg5[%add3A_46, %dma_start3A_62] : memref<320000x32xf32, #tpu.memory_space<hbm>> -> memref<88x32xf32, #tpu.memory_space<hbm>>
    %dma_start3A_64 = arith.constant 0 : i32
    %dma_start3A_65 = arith.constant 0 : i32
    %dma_start3A_66 = tpu.memref_slice %arg18[%dma_start3A_64, %dma_start3A_65] : memref<88x32xf32, #tpu.memory_space<vmem>> -> memref<88x32xf32, #tpu.memory_space<vmem>>
    %dma_start3A_67 = arith.constant 0 : i32
    %dma_start3A_68 = tpu.memref_slice %arg5[%add3A_46, %dma_start3A_67] : memref<320000x32xf32, #tpu.memory_space<hbm>> -> memref<88x32xf32, #tpu.memory_space<hbm>>
    tpu.enqueue_dma source(%dma_start3A_68 : memref<88x32xf32, #tpu.memory_space<hbm>>) target(%dma_start3A_66 : memref<88x32xf32, #tpu.memory_space<vmem>>) target_semaphore(%arg19 : memref<!tpu.dma_semaphore, #tpu.memory_space<semaphore_mem>>)
    %scan3A_69 = arith.constant 0 : i32
    %scan3A_70 = arith.constant 56 : i32
    %scan3A_71 = arith.addi %scan3A_69, %scan3A_70 : i32
    %scan3A_72 = arith.constant 1 : i32
    scf.for %scan3A_278 = %scan3A_69 to %scan3A_71 step %scan3A_72  : i32 {
      %mul3A_279 = arith.constant 1 : i32
      %mul3A_280 = arith.muli %scan3A_278, %mul3A_279 : i32
      %add3A_281 = arith.constant 0 : i32
      %add3A_282 = arith.addi %add3A_281, %mul3A_280 : i32
      %mul3A_283 = arith.constant 2 : i32
      %mul3A_284 = arith.muli %mul3A_283, %add3A_282 : i32
      %dma_wait3A_285 = arith.constant 0 : i32
      %dma_wait3A_286 = tpu.memref_slice %arg8[%dma_wait3A_285] : memref<88xi32, #tpu.memory_space<vmem>> -> memref<88xi32, #tpu.memory_space<vmem>>
      %dma_wait3A_287 = arith.constant 0 : i32
      %dma_wait3A_288 = tpu.memref_slice %arg2[%dma_wait3A_287] : memref<320000xi32, #tpu.memory_space<hbm>> -> memref<88xi32, #tpu.memory_space<hbm>>
      %dma_wait3A_289 = arith.constant 0 : i32
      %dma_wait3A_290 = tpu.memref_slice %arg8[%dma_wait3A_289] : memref<88xi32, #tpu.memory_space<vmem>> -> memref<88xi32, #tpu.memory_space<vmem>>
      %dma_wait3A_291 = arith.constant 0 : i32
      %dma_wait3A_292 = tpu.memref_slice %arg2[%dma_wait3A_291] : memref<320000xi32, #tpu.memory_space<hbm>> -> memref<88xi32, #tpu.memory_space<hbm>>
      tpu.wait_dma2 semaphore(%arg12 : memref<!tpu.dma_semaphore, #tpu.memory_space<semaphore_mem>>) src(%dma_wait3A_292 : memref<88xi32, #tpu.memory_space<hbm>>) dst(%dma_wait3A_290 : memref<88xi32, #tpu.memory_space<vmem>>)
      %dma_wait3A_293 = arith.constant 0 : i32
      %dma_wait3A_294 = tpu.memref_slice %arg9[%dma_wait3A_293] : memref<88xi32, #tpu.memory_space<vmem>> -> memref<88xi32, #tpu.memory_space<vmem>>
      %dma_wait3A_295 = arith.constant 0 : i32
      %dma_wait3A_296 = tpu.memref_slice %arg3[%dma_wait3A_295] : memref<320000xi32, #tpu.memory_space<hbm>> -> memref<88xi32, #tpu.memory_space<hbm>>
      %dma_wait3A_297 = arith.constant 0 : i32
      %dma_wait3A_298 = tpu.memref_slice %arg9[%dma_wait3A_297] : memref<88xi32, #tpu.memory_space<vmem>> -> memref<88xi32, #tpu.memory_space<vmem>>
      %dma_wait3A_299 = arith.constant 0 : i32
      %dma_wait3A_300 = tpu.memref_slice %arg3[%dma_wait3A_299] : memref<320000xi32, #tpu.memory_space<hbm>> -> memref<88xi32, #tpu.memory_space<hbm>>
      tpu.wait_dma2 semaphore(%arg12 : memref<!tpu.dma_semaphore, #tpu.memory_space<semaphore_mem>>) src(%dma_wait3A_300 : memref<88xi32, #tpu.memory_space<hbm>>) dst(%dma_wait3A_298 : memref<88xi32, #tpu.memory_space<vmem>>)
      %dma_wait3A_301 = arith.constant 0 : i32
      %dma_wait3A_302 = arith.constant 0 : i32
      %dma_wait3A_303 = tpu.memref_slice %arg11[%dma_wait3A_301, %dma_wait3A_302] : memref<88x32xf32, #tpu.memory_space<vmem>> -> memref<88x32xf32, #tpu.memory_space<vmem>>
      %dma_wait3A_304 = arith.constant 0 : i32
      %dma_wait3A_305 = arith.constant 0 : i32
      %dma_wait3A_306 = tpu.memref_slice %arg5[%dma_wait3A_304, %dma_wait3A_305] : memref<320000x32xf32, #tpu.memory_space<hbm>> -> memref<88x32xf32, #tpu.memory_space<hbm>>
      %dma_wait3A_307 = arith.constant 0 : i32
      %dma_wait3A_308 = arith.constant 0 : i32
      %dma_wait3A_309 = tpu.memref_slice %arg11[%dma_wait3A_307, %dma_wait3A_308] : memref<88x32xf32, #tpu.memory_space<vmem>> -> memref<88x32xf32, #tpu.memory_space<vmem>>
      %dma_wait3A_310 = arith.constant 0 : i32
      %dma_wait3A_311 = arith.constant 0 : i32
      %dma_wait3A_312 = tpu.memref_slice %arg5[%dma_wait3A_310, %dma_wait3A_311] : memref<320000x32xf32, #tpu.memory_space<hbm>> -> memref<88x32xf32, #tpu.memory_space<hbm>>
      tpu.wait_dma2 semaphore(%arg12 : memref<!tpu.dma_semaphore, #tpu.memory_space<semaphore_mem>>) src(%dma_wait3A_312 : memref<88x32xf32, #tpu.memory_space<hbm>>) dst(%dma_wait3A_309 : memref<88x32xf32, #tpu.memory_space<vmem>>)
      %dma_start3A_313 = arith.constant 0 : i32
      %dma_start3A_314 = arith.constant 0 : i32
      %dma_start3A_315 = tpu.memref_slice %arg10[%dma_start3A_313, %dma_start3A_314] : memref<88x128xf32, #tpu.memory_space<vmem>> -> memref<88x128xf32, #tpu.memory_space<vmem>>
      %dma_start3A_316 = arith.constant 0 : i32
      %dma_start3A_317 = tpu.memref_slice %arg9[%dma_start3A_316] : memref<88xi32, #tpu.memory_space<vmem>> -> memref<88xi32, #tpu.memory_space<vmem>>
      %dma_start3A_318 = arith.constant 0 : i32
      %dma_start3A_319 = arith.constant 0 : i32
      %dma_start3A_320 = tpu.memref_slice %arg4[%dma_start3A_318, %dma_start3A_319] : memref<10000x128xf32, #tpu.memory_space<hbm>> -> memref<10000x128xf32, #tpu.memory_space<hbm>>
      tpu.enqueue_indirect_dma source(%dma_start3A_320 : memref<10000x128xf32, #tpu.memory_space<hbm>>) target(%dma_start3A_315 : memref<88x128xf32, #tpu.memory_space<vmem>>) offsets(%dma_start3A_317 : memref<88xi32, #tpu.memory_space<vmem>>) semaphore(%arg13 : memref<!tpu.dma_semaphore, #tpu.memory_space<semaphore_mem>>)
      %dma_wait3A_321 = arith.constant 0 : i32
      %dma_wait3A_322 = tpu.memref_slice %arg15[%dma_wait3A_321] : memref<88xi32, #tpu.memory_space<vmem>> -> memref<88xi32, #tpu.memory_space<vmem>>
      %dma_wait3A_323 = arith.constant 0 : i32
      %dma_wait3A_324 = tpu.memref_slice %arg2[%dma_wait3A_323] : memref<320000xi32, #tpu.memory_space<hbm>> -> memref<88xi32, #tpu.memory_space<hbm>>
      %dma_wait3A_325 = arith.constant 0 : i32
      %dma_wait3A_326 = tpu.memref_slice %arg15[%dma_wait3A_325] : memref<88xi32, #tpu.memory_space<vmem>> -> memref<88xi32, #tpu.memory_space<vmem>>
      %dma_wait3A_327 = arith.constant 0 : i32
      %dma_wait3A_328 = tpu.memref_slice %arg2[%dma_wait3A_327] : memref<320000xi32, #tpu.memory_space<hbm>> -> memref<88xi32, #tpu.memory_space<hbm>>
      tpu.wait_dma2 semaphore(%arg19 : memref<!tpu.dma_semaphore, #tpu.memory_space<semaphore_mem>>) src(%dma_wait3A_328 : memref<88xi32, #tpu.memory_space<hbm>>) dst(%dma_wait3A_326 : memref<88xi32, #tpu.memory_space<vmem>>)
      %dma_wait3A_329 = arith.constant 0 : i32
      %dma_wait3A_330 = tpu.memref_slice %arg16[%dma_wait3A_329] : memref<88xi32, #tpu.memory_space<vmem>> -> memref<88xi32, #tpu.memory_space<vmem>>
      %dma_wait3A_331 = arith.constant 0 : i32
      %dma_wait3A_332 = tpu.memref_slice %arg3[%dma_wait3A_331] : memref<320000xi32, #tpu.memory_space<hbm>> -> memref<88xi32, #tpu.memory_space<hbm>>
      %dma_wait3A_333 = arith.constant 0 : i32
      %dma_wait3A_334 = tpu.memref_slice %arg16[%dma_wait3A_333] : memref<88xi32, #tpu.memory_space<vmem>> -> memref<88xi32, #tpu.memory_space<vmem>>
      %dma_wait3A_335 = arith.constant 0 : i32
      %dma_wait3A_336 = tpu.memref_slice %arg3[%dma_wait3A_335] : memref<320000xi32, #tpu.memory_space<hbm>> -> memref<88xi32, #tpu.memory_space<hbm>>
      tpu.wait_dma2 semaphore(%arg19 : memref<!tpu.dma_semaphore, #tpu.memory_space<semaphore_mem>>) src(%dma_wait3A_336 : memref<88xi32, #tpu.memory_space<hbm>>) dst(%dma_wait3A_334 : memref<88xi32, #tpu.memory_space<vmem>>)
      %dma_wait3A_337 = arith.constant 0 : i32
      %dma_wait3A_338 = arith.constant 0 : i32
      %dma_wait3A_339 = tpu.memref_slice %arg18[%dma_wait3A_337, %dma_wait3A_338] : memref<88x32xf32, #tpu.memory_space<vmem>> -> memref<88x32xf32, #tpu.memory_space<vmem>>
      %dma_wait3A_340 = arith.constant 0 : i32
      %dma_wait3A_341 = arith.constant 0 : i32
      %dma_wait3A_342 = tpu.memref_slice %arg5[%dma_wait3A_340, %dma_wait3A_341] : memref<320000x32xf32, #tpu.memory_space<hbm>> -> memref<88x32xf32, #tpu.memory_space<hbm>>
      %dma_wait3A_343 = arith.constant 0 : i32
      %dma_wait3A_344 = arith.constant 0 : i32
      %dma_wait3A_345 = tpu.memref_slice %arg18[%dma_wait3A_343, %dma_wait3A_344] : memref<88x32xf32, #tpu.memory_space<vmem>> -> memref<88x32xf32, #tpu.memory_space<vmem>>
      %dma_wait3A_346 = arith.constant 0 : i32
      %dma_wait3A_347 = arith.constant 0 : i32
      %dma_wait3A_348 = tpu.memref_slice %arg5[%dma_wait3A_346, %dma_wait3A_347] : memref<320000x32xf32, #tpu.memory_space<hbm>> -> memref<88x32xf32, #tpu.memory_space<hbm>>
      tpu.wait_dma2 semaphore(%arg19 : memref<!tpu.dma_semaphore, #tpu.memory_space<semaphore_mem>>) src(%dma_wait3A_348 : memref<88x32xf32, #tpu.memory_space<hbm>>) dst(%dma_wait3A_345 : memref<88x32xf32, #tpu.memory_space<vmem>>)
      %dma_start3A_349 = arith.constant 0 : i32
      %dma_start3A_350 = arith.constant 0 : i32
      %dma_start3A_351 = tpu.memref_slice %arg17[%dma_start3A_349, %dma_start3A_350] : memref<88x128xf32, #tpu.memory_space<vmem>> -> memref<88x128xf32, #tpu.memory_space<vmem>>
      %dma_start3A_352 = arith.constant 0 : i32
      %dma_start3A_353 = tpu.memref_slice %arg16[%dma_start3A_352] : memref<88xi32, #tpu.memory_space<vmem>> -> memref<88xi32, #tpu.memory_space<vmem>>
      %dma_start3A_354 = arith.constant 0 : i32
      %dma_start3A_355 = arith.constant 0 : i32
      %dma_start3A_356 = tpu.memref_slice %arg4[%dma_start3A_354, %dma_start3A_355] : memref<10000x128xf32, #tpu.memory_space<hbm>> -> memref<10000x128xf32, #tpu.memory_space<hbm>>
      tpu.enqueue_indirect_dma source(%dma_start3A_356 : memref<10000x128xf32, #tpu.memory_space<hbm>>) target(%dma_start3A_351 : memref<88x128xf32, #tpu.memory_space<vmem>>) offsets(%dma_start3A_353 : memref<88xi32, #tpu.memory_space<vmem>>) semaphore(%arg20 : memref<!tpu.dma_semaphore, #tpu.memory_space<semaphore_mem>>)
      %dma_wait3A_357 = arith.constant 0 : i32
      %dma_wait3A_358 = arith.constant 0 : i32
      %dma_wait3A_359 = tpu.memref_slice %arg10[%dma_wait3A_357, %dma_wait3A_358] : memref<88x128xf32, #tpu.memory_space<vmem>> -> memref<88x128xf32, #tpu.memory_space<vmem>>
      %dma_wait3A_360 = arith.constant 0 : i32
      %dma_wait3A_361 = tpu.memref_slice %arg9[%dma_wait3A_360] : memref<88xi32, #tpu.memory_space<vmem>> -> memref<88xi32, #tpu.memory_space<vmem>>
      %dma_wait3A_362 = arith.constant 0 : i32
      %dma_wait3A_363 = arith.constant 0 : i32
      %dma_wait3A_364 = tpu.memref_slice %arg4[%dma_wait3A_362, %dma_wait3A_363] : memref<10000x128xf32, #tpu.memory_space<hbm>> -> memref<10000x128xf32, #tpu.memory_space<hbm>>
      tpu.wait_indirect_dma semaphore(%arg13 : memref<!tpu.dma_semaphore, #tpu.memory_space<semaphore_mem>>) src(%dma_wait3A_364 : memref<10000x128xf32, #tpu.memory_space<hbm>>) dst(%dma_wait3A_359 : memref<88x128xf32, #tpu.memory_space<vmem>>)
      %dma_start3A_365 = arith.constant 0 : i32
      %dma_start3A_366 = arith.constant 0 : i32
      %dma_start3A_367 = tpu.memref_slice %arg10[%dma_start3A_365, %dma_start3A_366] : memref<88x128xf32, #tpu.memory_space<vmem>> -> memref<88x128xf32, #tpu.memory_space<vmem>>
      %dma_start3A_368 = arith.constant 0 : i32
      %dma_start3A_369 = tpu.memref_slice %arg8[%dma_start3A_368] : memref<88xi32, #tpu.memory_space<vmem>> -> memref<88xi32, #tpu.memory_space<vmem>>
      %dma_start3A_370 = arith.constant 0 : i32
      %dma_start3A_371 = arith.constant 0 : i32
      %dma_start3A_372 = tpu.memref_slice %arg22[%dma_start3A_370, %dma_start3A_371] : memref<10240x128xf32, #tpu.memory_space<vmem_shared>> -> memref<10240x128xf32, #tpu.memory_space<vmem_shared>>
      tpu.enqueue_indirect_dma source(%dma_start3A_367 : memref<88x128xf32, #tpu.memory_space<vmem>>) target(%dma_start3A_372 : memref<10240x128xf32, #tpu.memory_space<vmem_shared>>) offsets(%dma_start3A_369 : memref<88xi32, #tpu.memory_space<vmem>>) semaphore(%arg14 : memref<!tpu.dma_semaphore, #tpu.memory_space<semaphore_mem>>) {add = true}
      %dma_start3A_373 = arith.constant 0 : i32
      %dma_start3A_374 = arith.constant 0 : i32
      %dma_start3A_375 = tpu.memref_slice %arg11[%dma_start3A_373, %dma_start3A_374] : memref<88x32xf32, #tpu.memory_space<vmem>> -> memref<88x32xf32, #tpu.memory_space<vmem>>
      %dma_start3A_376 = arith.constant 0 : i32
      %dma_start3A_377 = tpu.memref_slice %arg8[%dma_start3A_376] : memref<88xi32, #tpu.memory_space<vmem>> -> memref<88xi32, #tpu.memory_space<vmem>>
      %dma_start3A_378 = arith.constant 0 : i32
      %dma_start3A_379 = arith.constant 0 : i32
      %dma_start3A_380 = tpu.memref_slice %arg23[%dma_start3A_378, %dma_start3A_379] : memref<10240x32xf32, #tpu.memory_space<vmem_shared>> -> memref<10240x32xf32, #tpu.memory_space<vmem_shared>>
      tpu.enqueue_indirect_dma source(%dma_start3A_375 : memref<88x32xf32, #tpu.memory_space<vmem>>) target(%dma_start3A_380 : memref<10240x32xf32, #tpu.memory_space<vmem_shared>>) offsets(%dma_start3A_377 : memref<88xi32, #tpu.memory_space<vmem>>) semaphore(%arg14 : memref<!tpu.dma_semaphore, #tpu.memory_space<semaphore_mem>>) {add = true}
      %dma_wait3A_381 = arith.constant 0 : i32
      %dma_wait3A_382 = arith.constant 0 : i32
      %dma_wait3A_383 = tpu.memref_slice %arg17[%dma_wait3A_381, %dma_wait3A_382] : memref<88x128xf32, #tpu.memory_space<vmem>> -> memref<88x128xf32, #tpu.memory_space<vmem>>
      %dma_wait3A_384 = arith.constant 0 : i32
      %dma_wait3A_385 = tpu.memref_slice %arg16[%dma_wait3A_384] : memref<88xi32, #tpu.memory_space<vmem>> -> memref<88xi32, #tpu.memory_space<vmem>>
      %dma_wait3A_386 = arith.constant 0 : i32
      %dma_wait3A_387 = arith.constant 0 : i32
      %dma_wait3A_388 = tpu.memref_slice %arg4[%dma_wait3A_386, %dma_wait3A_387] : memref<10000x128xf32, #tpu.memory_space<hbm>> -> memref<10000x128xf32, #tpu.memory_space<hbm>>
      tpu.wait_indirect_dma semaphore(%arg20 : memref<!tpu.dma_semaphore, #tpu.memory_space<semaphore_mem>>) src(%dma_wait3A_388 : memref<10000x128xf32, #tpu.memory_space<hbm>>) dst(%dma_wait3A_383 : memref<88x128xf32, #tpu.memory_space<vmem>>)
      %dma_start3A_389 = arith.constant 0 : i32
      %dma_start3A_390 = arith.constant 0 : i32
      %dma_start3A_391 = tpu.memref_slice %arg17[%dma_start3A_389, %dma_start3A_390] : memref<88x128xf32, #tpu.memory_space<vmem>> -> memref<88x128xf32, #tpu.memory_space<vmem>>
      %dma_start3A_392 = arith.constant 0 : i32
      %dma_start3A_393 = tpu.memref_slice %arg15[%dma_start3A_392] : memref<88xi32, #tpu.memory_space<vmem>> -> memref<88xi32, #tpu.memory_space<vmem>>
      %dma_start3A_394 = arith.constant 0 : i32
      %dma_start3A_395 = arith.constant 0 : i32
      %dma_start3A_396 = tpu.memref_slice %arg22[%dma_start3A_394, %dma_start3A_395] : memref<10240x128xf32, #tpu.memory_space<vmem_shared>> -> memref<10240x128xf32, #tpu.memory_space<vmem_shared>>
      tpu.enqueue_indirect_dma source(%dma_start3A_391 : memref<88x128xf32, #tpu.memory_space<vmem>>) target(%dma_start3A_396 : memref<10240x128xf32, #tpu.memory_space<vmem_shared>>) offsets(%dma_start3A_393 : memref<88xi32, #tpu.memory_space<vmem>>) semaphore(%arg21 : memref<!tpu.dma_semaphore, #tpu.memory_space<semaphore_mem>>) {add = true}
      %dma_start3A_397 = arith.constant 0 : i32
      %dma_start3A_398 = arith.constant 0 : i32
      %dma_start3A_399 = tpu.memref_slice %arg18[%dma_start3A_397, %dma_start3A_398] : memref<88x32xf32, #tpu.memory_space<vmem>> -> memref<88x32xf32, #tpu.memory_space<vmem>>
      %dma_start3A_400 = arith.constant 0 : i32
      %dma_start3A_401 = tpu.memref_slice %arg15[%dma_start3A_400] : memref<88xi32, #tpu.memory_space<vmem>> -> memref<88xi32, #tpu.memory_space<vmem>>
      %dma_start3A_402 = arith.constant 0 : i32
      %dma_start3A_403 = arith.constant 0 : i32
      %dma_start3A_404 = tpu.memref_slice %arg23[%dma_start3A_402, %dma_start3A_403] : memref<10240x32xf32, #tpu.memory_space<vmem_shared>> -> memref<10240x32xf32, #tpu.memory_space<vmem_shared>>
      tpu.enqueue_indirect_dma source(%dma_start3A_399 : memref<88x32xf32, #tpu.memory_space<vmem>>) target(%dma_start3A_404 : memref<10240x32xf32, #tpu.memory_space<vmem_shared>>) offsets(%dma_start3A_401 : memref<88xi32, #tpu.memory_space<vmem>>) semaphore(%arg21 : memref<!tpu.dma_semaphore, #tpu.memory_space<semaphore_mem>>) {add = true}
      %dma_wait3A_405 = arith.constant 0 : i32
      %dma_wait3A_406 = arith.constant 0 : i32
      %dma_wait3A_407 = tpu.memref_slice %arg10[%dma_wait3A_405, %dma_wait3A_406] : memref<88x128xf32, #tpu.memory_space<vmem>> -> memref<88x128xf32, #tpu.memory_space<vmem>>
      %dma_wait3A_408 = arith.constant 0 : i32
      %dma_wait3A_409 = tpu.memref_slice %arg8[%dma_wait3A_408] : memref<88xi32, #tpu.memory_space<vmem>> -> memref<88xi32, #tpu.memory_space<vmem>>
      %dma_wait3A_410 = arith.constant 0 : i32
      %dma_wait3A_411 = arith.constant 0 : i32
      %dma_wait3A_412 = tpu.memref_slice %arg22[%dma_wait3A_410, %dma_wait3A_411] : memref<10240x128xf32, #tpu.memory_space<vmem_shared>> -> memref<10240x128xf32, #tpu.memory_space<vmem_shared>>
      tpu.wait_indirect_dma semaphore(%arg14 : memref<!tpu.dma_semaphore, #tpu.memory_space<semaphore_mem>>) src(%dma_wait3A_407 : memref<88x128xf32, #tpu.memory_space<vmem>>) dst(%dma_wait3A_412 : memref<10240x128xf32, #tpu.memory_space<vmem_shared>>)
      %dma_wait3A_413 = arith.constant 0 : i32
      %dma_wait3A_414 = arith.constant 0 : i32
      %dma_wait3A_415 = tpu.memref_slice %arg11[%dma_wait3A_413, %dma_wait3A_414] : memref<88x32xf32, #tpu.memory_space<vmem>> -> memref<88x32xf32, #tpu.memory_space<vmem>>
      %dma_wait3A_416 = arith.constant 0 : i32
      %dma_wait3A_417 = tpu.memref_slice %arg8[%dma_wait3A_416] : memref<88xi32, #tpu.memory_space<vmem>> -> memref<88xi32, #tpu.memory_space<vmem>>
      %dma_wait3A_418 = arith.constant 0 : i32
      %dma_wait3A_419 = arith.constant 0 : i32
      %dma_wait3A_420 = tpu.memref_slice %arg23[%dma_wait3A_418, %dma_wait3A_419] : memref<10240x32xf32, #tpu.memory_space<vmem_shared>> -> memref<10240x32xf32, #tpu.memory_space<vmem_shared>>
      tpu.wait_indirect_dma semaphore(%arg14 : memref<!tpu.dma_semaphore, #tpu.memory_space<semaphore_mem>>) src(%dma_wait3A_415 : memref<88x32xf32, #tpu.memory_space<vmem>>) dst(%dma_wait3A_420 : memref<10240x32xf32, #tpu.memory_space<vmem_shared>>)
      %add3A_421 = arith.constant 2 : i32
      %add3A_422 = arith.addi %mul3A_284, %add3A_421 : i32
      %min3A_423 = arith.constant 112 : i32
      %min3A_424 = arith.minsi %add3A_422, %min3A_423 : i32
      %mul3A_425 = arith.constant 88 : i32
      %mul3A_426 = arith.muli %min3A_424, %mul3A_425 : i32
      %add3A_427 = arith.addi %add3A, %mul3A_426 : i32
      %dma_start3A_428 = arith.constant 0 : i32
      %dma_start3A_429 = tpu.memref_slice %arg8[%dma_start3A_428] : memref<88xi32, #tpu.memory_space<vmem>> -> memref<88xi32, #tpu.memory_space<vmem>>
      %dma_start3A_430 = tpu.memref_slice %arg2[%add3A_427] : memref<320000xi32, #tpu.memory_space<hbm>> -> memref<88xi32, #tpu.memory_space<hbm>>
      %dma_start3A_431 = arith.constant 0 : i32
      %dma_start3A_432 = tpu.memref_slice %arg8[%dma_start3A_431] : memref<88xi32, #tpu.memory_space<vmem>> -> memref<88xi32, #tpu.memory_space<vmem>>
      %dma_start3A_433 = tpu.memref_slice %arg2[%add3A_427] : memref<320000xi32, #tpu.memory_space<hbm>> -> memref<88xi32, #tpu.memory_space<hbm>>
      tpu.enqueue_dma source(%dma_start3A_433 : memref<88xi32, #tpu.memory_space<hbm>>) target(%dma_start3A_432 : memref<88xi32, #tpu.memory_space<vmem>>) target_semaphore(%arg12 : memref<!tpu.dma_semaphore, #tpu.memory_space<semaphore_mem>>)
      %dma_start3A_434 = arith.constant 0 : i32
      %dma_start3A_435 = tpu.memref_slice %arg9[%dma_start3A_434] : memref<88xi32, #tpu.memory_space<vmem>> -> memref<88xi32, #tpu.memory_space<vmem>>
      %dma_start3A_436 = tpu.memref_slice %arg3[%add3A_427] : memref<320000xi32, #tpu.memory_space<hbm>> -> memref<88xi32, #tpu.memory_space<hbm>>
      %dma_start3A_437 = arith.constant 0 : i32
      %dma_start3A_438 = tpu.memref_slice %arg9[%dma_start3A_437] : memref<88xi32, #tpu.memory_space<vmem>> -> memref<88xi32, #tpu.memory_space<vmem>>
      %dma_start3A_439 = tpu.memref_slice %arg3[%add3A_427] : memref<320000xi32, #tpu.memory_space<hbm>> -> memref<88xi32, #tpu.memory_space<hbm>>
      tpu.enqueue_dma source(%dma_start3A_439 : memref<88xi32, #tpu.memory_space<hbm>>) target(%dma_start3A_438 : memref<88xi32, #tpu.memory_space<vmem>>) target_semaphore(%arg12 : memref<!tpu.dma_semaphore, #tpu.memory_space<semaphore_mem>>)
      %dma_start3A_440 = arith.constant 0 : i32
      %dma_start3A_441 = arith.constant 0 : i32
      %dma_start3A_442 = tpu.memref_slice %arg11[%dma_start3A_440, %dma_start3A_441] : memref<88x32xf32, #tpu.memory_space<vmem>> -> memref<88x32xf32, #tpu.memory_space<vmem>>
      %dma_start3A_443 = arith.constant 0 : i32
      %dma_start3A_444 = tpu.memref_slice %arg5[%add3A_427, %dma_start3A_443] : memref<320000x32xf32, #tpu.memory_space<hbm>> -> memref<88x32xf32, #tpu.memory_space<hbm>>
      %dma_start3A_445 = arith.constant 0 : i32
      %dma_start3A_446 = arith.constant 0 : i32
      %dma_start3A_447 = tpu.memref_slice %arg11[%dma_start3A_445, %dma_start3A_446] : memref<88x32xf32, #tpu.memory_space<vmem>> -> memref<88x32xf32, #tpu.memory_space<vmem>>
      %dma_start3A_448 = arith.constant 0 : i32
      %dma_start3A_449 = tpu.memref_slice %arg5[%add3A_427, %dma_start3A_448] : memref<320000x32xf32, #tpu.memory_space<hbm>> -> memref<88x32xf32, #tpu.memory_space<hbm>>
      tpu.enqueue_dma source(%dma_start3A_449 : memref<88x32xf32, #tpu.memory_space<hbm>>) target(%dma_start3A_447 : memref<88x32xf32, #tpu.memory_space<vmem>>) target_semaphore(%arg12 : memref<!tpu.dma_semaphore, #tpu.memory_space<semaphore_mem>>)
      %dma_wait3A_450 = arith.constant 0 : i32
      %dma_wait3A_451 = arith.constant 0 : i32
      %dma_wait3A_452 = tpu.memref_slice %arg17[%dma_wait3A_450, %dma_wait3A_451] : memref<88x128xf32, #tpu.memory_space<vmem>> -> memref<88x128xf32, #tpu.memory_space<vmem>>
      %dma_wait3A_453 = arith.constant 0 : i32
      %dma_wait3A_454 = tpu.memref_slice %arg15[%dma_wait3A_453] : memref<88xi32, #tpu.memory_space<vmem>> -> memref<88xi32, #tpu.memory_space<vmem>>
      %dma_wait3A_455 = arith.constant 0 : i32
      %dma_wait3A_456 = arith.constant 0 : i32
      %dma_wait3A_457 = tpu.memref_slice %arg22[%dma_wait3A_455, %dma_wait3A_456] : memref<10240x128xf32, #tpu.memory_space<vmem_shared>> -> memref<10240x128xf32, #tpu.memory_space<vmem_shared>>
      tpu.wait_indirect_dma semaphore(%arg21 : memref<!tpu.dma_semaphore, #tpu.memory_space<semaphore_mem>>) src(%dma_wait3A_452 : memref<88x128xf32, #tpu.memory_space<vmem>>) dst(%dma_wait3A_457 : memref<10240x128xf32, #tpu.memory_space<vmem_shared>>)
      %dma_wait3A_458 = arith.constant 0 : i32
      %dma_wait3A_459 = arith.constant 0 : i32
      %dma_wait3A_460 = tpu.memref_slice %arg18[%dma_wait3A_458, %dma_wait3A_459] : memref<88x32xf32, #tpu.memory_space<vmem>> -> memref<88x32xf32, #tpu.memory_space<vmem>>
      %dma_wait3A_461 = arith.constant 0 : i32
      %dma_wait3A_462 = tpu.memref_slice %arg15[%dma_wait3A_461] : memref<88xi32, #tpu.memory_space<vmem>> -> memref<88xi32, #tpu.memory_space<vmem>>
      %dma_wait3A_463 = arith.constant 0 : i32
      %dma_wait3A_464 = arith.constant 0 : i32
      %dma_wait3A_465 = tpu.memref_slice %arg23[%dma_wait3A_463, %dma_wait3A_464] : memref<10240x32xf32, #tpu.memory_space<vmem_shared>> -> memref<10240x32xf32, #tpu.memory_space<vmem_shared>>
      tpu.wait_indirect_dma semaphore(%arg21 : memref<!tpu.dma_semaphore, #tpu.memory_space<semaphore_mem>>) src(%dma_wait3A_460 : memref<88x32xf32, #tpu.memory_space<vmem>>) dst(%dma_wait3A_465 : memref<10240x32xf32, #tpu.memory_space<vmem_shared>>)
      %add3A_466 = arith.constant 3 : i32
      %add3A_467 = arith.addi %mul3A_284, %add3A_466 : i32
      %min3A_468 = arith.constant 112 : i32
      %min3A_469 = arith.minsi %add3A_467, %min3A_468 : i32
      %min3A_470 = arith.constant 112 : i32
      %min3A_471 = arith.minsi %min3A_469, %min3A_470 : i32
      %mul3A_472 = arith.constant 88 : i32
      %mul3A_473 = arith.muli %min3A_471, %mul3A_472 : i32
      %add3A_474 = arith.addi %add3A, %mul3A_473 : i32
      %dma_start3A_475 = arith.constant 0 : i32
      %dma_start3A_476 = tpu.memref_slice %arg15[%dma_start3A_475] : memref<88xi32, #tpu.memory_space<vmem>> -> memref<88xi32, #tpu.memory_space<vmem>>
      %dma_start3A_477 = tpu.memref_slice %arg2[%add3A_474] : memref<320000xi32, #tpu.memory_space<hbm>> -> memref<88xi32, #tpu.memory_space<hbm>>
      %dma_start3A_478 = arith.constant 0 : i32
      %dma_start3A_479 = tpu.memref_slice %arg15[%dma_start3A_478] : memref<88xi32, #tpu.memory_space<vmem>> -> memref<88xi32, #tpu.memory_space<vmem>>
      %dma_start3A_480 = tpu.memref_slice %arg2[%add3A_474] : memref<320000xi32, #tpu.memory_space<hbm>> -> memref<88xi32, #tpu.memory_space<hbm>>
      tpu.enqueue_dma source(%dma_start3A_480 : memref<88xi32, #tpu.memory_space<hbm>>) target(%dma_start3A_479 : memref<88xi32, #tpu.memory_space<vmem>>) target_semaphore(%arg19 : memref<!tpu.dma_semaphore, #tpu.memory_space<semaphore_mem>>)
      %dma_start3A_481 = arith.constant 0 : i32
      %dma_start3A_482 = tpu.memref_slice %arg16[%dma_start3A_481] : memref<88xi32, #tpu.memory_space<vmem>> -> memref<88xi32, #tpu.memory_space<vmem>>
      %dma_start3A_483 = tpu.memref_slice %arg3[%add3A_474] : memref<320000xi32, #tpu.memory_space<hbm>> -> memref<88xi32, #tpu.memory_space<hbm>>
      %dma_start3A_484 = arith.constant 0 : i32
      %dma_start3A_485 = tpu.memref_slice %arg16[%dma_start3A_484] : memref<88xi32, #tpu.memory_space<vmem>> -> memref<88xi32, #tpu.memory_space<vmem>>
      %dma_start3A_486 = tpu.memref_slice %arg3[%add3A_474] : memref<320000xi32, #tpu.memory_space<hbm>> -> memref<88xi32, #tpu.memory_space<hbm>>
      tpu.enqueue_dma source(%dma_start3A_486 : memref<88xi32, #tpu.memory_space<hbm>>) target(%dma_start3A_485 : memref<88xi32, #tpu.memory_space<vmem>>) target_semaphore(%arg19 : memref<!tpu.dma_semaphore, #tpu.memory_space<semaphore_mem>>)
      %dma_start3A_487 = arith.constant 0 : i32
      %dma_start3A_488 = arith.constant 0 : i32
      %dma_start3A_489 = tpu.memref_slice %arg18[%dma_start3A_487, %dma_start3A_488] : memref<88x32xf32, #tpu.memory_space<vmem>> -> memref<88x32xf32, #tpu.memory_space<vmem>>
      %dma_start3A_490 = arith.constant 0 : i32
      %dma_start3A_491 = tpu.memref_slice %arg5[%add3A_474, %dma_start3A_490] : memref<320000x32xf32, #tpu.memory_space<hbm>> -> memref<88x32xf32, #tpu.memory_space<hbm>>
      %dma_start3A_492 = arith.constant 0 : i32
      %dma_start3A_493 = arith.constant 0 : i32
      %dma_start3A_494 = tpu.memref_slice %arg18[%dma_start3A_492, %dma_start3A_493] : memref<88x32xf32, #tpu.memory_space<vmem>> -> memref<88x32xf32, #tpu.memory_space<vmem>>
      %dma_start3A_495 = arith.constant 0 : i32
      %dma_start3A_496 = tpu.memref_slice %arg5[%add3A_474, %dma_start3A_495] : memref<320000x32xf32, #tpu.memory_space<hbm>> -> memref<88x32xf32, #tpu.memory_space<hbm>>
      tpu.enqueue_dma source(%dma_start3A_496 : memref<88x32xf32, #tpu.memory_space<hbm>>) target(%dma_start3A_494 : memref<88x32xf32, #tpu.memory_space<vmem>>) target_semaphore(%arg19 : memref<!tpu.dma_semaphore, #tpu.memory_space<semaphore_mem>>)
    }
    %scan3A_73 = arith.constant 56 : i32
    %dma_wait3A = arith.constant 0 : i32
    %dma_wait3A_74 = tpu.memref_slice %arg8[%dma_wait3A] : memref<88xi32, #tpu.memory_space<vmem>> -> memref<88xi32, #tpu.memory_space<vmem>>
    %dma_wait3A_75 = arith.constant 0 : i32
    %dma_wait3A_76 = tpu.memref_slice %arg2[%dma_wait3A_75] : memref<320000xi32, #tpu.memory_space<hbm>> -> memref<88xi32, #tpu.memory_space<hbm>>
    %dma_wait3A_77 = arith.constant 0 : i32
    %dma_wait3A_78 = tpu.memref_slice %arg8[%dma_wait3A_77] : memref<88xi32, #tpu.memory_space<vmem>> -> memref<88xi32, #tpu.memory_space<vmem>>
    %dma_wait3A_79 = arith.constant 0 : i32
    %dma_wait3A_80 = tpu.memref_slice %arg2[%dma_wait3A_79] : memref<320000xi32, #tpu.memory_space<hbm>> -> memref<88xi32, #tpu.memory_space<hbm>>
    tpu.wait_dma2 semaphore(%arg12 : memref<!tpu.dma_semaphore, #tpu.memory_space<semaphore_mem>>) src(%dma_wait3A_80 : memref<88xi32, #tpu.memory_space<hbm>>) dst(%dma_wait3A_78 : memref<88xi32, #tpu.memory_space<vmem>>)
    %dma_wait3A_81 = arith.constant 0 : i32
    %dma_wait3A_82 = tpu.memref_slice %arg9[%dma_wait3A_81] : memref<88xi32, #tpu.memory_space<vmem>> -> memref<88xi32, #tpu.memory_space<vmem>>
    %dma_wait3A_83 = arith.constant 0 : i32
    %dma_wait3A_84 = tpu.memref_slice %arg3[%dma_wait3A_83] : memref<320000xi32, #tpu.memory_space<hbm>> -> memref<88xi32, #tpu.memory_space<hbm>>
    %dma_wait3A_85 = arith.constant 0 : i32
    %dma_wait3A_86 = tpu.memref_slice %arg9[%dma_wait3A_85] : memref<88xi32, #tpu.memory_space<vmem>> -> memref<88xi32, #tpu.memory_space<vmem>>
    %dma_wait3A_87 = arith.constant 0 : i32
    %dma_wait3A_88 = tpu.memref_slice %arg3[%dma_wait3A_87] : memref<320000xi32, #tpu.memory_space<hbm>> -> memref<88xi32, #tpu.memory_space<hbm>>
    tpu.wait_dma2 semaphore(%arg12 : memref<!tpu.dma_semaphore, #tpu.memory_space<semaphore_mem>>) src(%dma_wait3A_88 : memref<88xi32, #tpu.memory_space<hbm>>) dst(%dma_wait3A_86 : memref<88xi32, #tpu.memory_space<vmem>>)
    %dma_wait3A_89 = arith.constant 0 : i32
    %dma_wait3A_90 = arith.constant 0 : i32
    %dma_wait3A_91 = tpu.memref_slice %arg11[%dma_wait3A_89, %dma_wait3A_90] : memref<88x32xf32, #tpu.memory_space<vmem>> -> memref<88x32xf32, #tpu.memory_space<vmem>>
    %dma_wait3A_92 = arith.constant 0 : i32
    %dma_wait3A_93 = arith.constant 0 : i32
    %dma_wait3A_94 = tpu.memref_slice %arg5[%dma_wait3A_92, %dma_wait3A_93] : memref<320000x32xf32, #tpu.memory_space<hbm>> -> memref<88x32xf32, #tpu.memory_space<hbm>>
    %dma_wait3A_95 = arith.constant 0 : i32
    %dma_wait3A_96 = arith.constant 0 : i32
    %dma_wait3A_97 = tpu.memref_slice %arg11[%dma_wait3A_95, %dma_wait3A_96] : memref<88x32xf32, #tpu.memory_space<vmem>> -> memref<88x32xf32, #tpu.memory_space<vmem>>
    %dma_wait3A_98 = arith.constant 0 : i32
    %dma_wait3A_99 = arith.constant 0 : i32
    %dma_wait3A_100 = tpu.memref_slice %arg5[%dma_wait3A_98, %dma_wait3A_99] : memref<320000x32xf32, #tpu.memory_space<hbm>> -> memref<88x32xf32, #tpu.memory_space<hbm>>
    tpu.wait_dma2 semaphore(%arg12 : memref<!tpu.dma_semaphore, #tpu.memory_space<semaphore_mem>>) src(%dma_wait3A_100 : memref<88x32xf32, #tpu.memory_space<hbm>>) dst(%dma_wait3A_97 : memref<88x32xf32, #tpu.memory_space<vmem>>)
    %dma_start3A_101 = arith.constant 0 : i32
    %dma_start3A_102 = arith.constant 0 : i32
    %dma_start3A_103 = tpu.memref_slice %arg10[%dma_start3A_101, %dma_start3A_102] : memref<88x128xf32, #tpu.memory_space<vmem>> -> memref<88x128xf32, #tpu.memory_space<vmem>>
    %dma_start3A_104 = arith.constant 0 : i32
    %dma_start3A_105 = tpu.memref_slice %arg9[%dma_start3A_104] : memref<88xi32, #tpu.memory_space<vmem>> -> memref<88xi32, #tpu.memory_space<vmem>>
    %dma_start3A_106 = arith.constant 0 : i32
    %dma_start3A_107 = arith.constant 0 : i32
    %dma_start3A_108 = tpu.memref_slice %arg4[%dma_start3A_106, %dma_start3A_107] : memref<10000x128xf32, #tpu.memory_space<hbm>> -> memref<10000x128xf32, #tpu.memory_space<hbm>>
    tpu.enqueue_indirect_dma source(%dma_start3A_108 : memref<10000x128xf32, #tpu.memory_space<hbm>>) target(%dma_start3A_103 : memref<88x128xf32, #tpu.memory_space<vmem>>) offsets(%dma_start3A_105 : memref<88xi32, #tpu.memory_space<vmem>>) semaphore(%arg13 : memref<!tpu.dma_semaphore, #tpu.memory_space<semaphore_mem>>)
    %dma_wait3A_109 = arith.constant 0 : i32
    %dma_wait3A_110 = tpu.memref_slice %arg15[%dma_wait3A_109] : memref<88xi32, #tpu.memory_space<vmem>> -> memref<88xi32, #tpu.memory_space<vmem>>
    %dma_wait3A_111 = arith.constant 0 : i32
    %dma_wait3A_112 = tpu.memref_slice %arg2[%dma_wait3A_111] : memref<320000xi32, #tpu.memory_space<hbm>> -> memref<88xi32, #tpu.memory_space<hbm>>
    %dma_wait3A_113 = arith.constant 0 : i32
    %dma_wait3A_114 = tpu.memref_slice %arg15[%dma_wait3A_113] : memref<88xi32, #tpu.memory_space<vmem>> -> memref<88xi32, #tpu.memory_space<vmem>>
    %dma_wait3A_115 = arith.constant 0 : i32
    %dma_wait3A_116 = tpu.memref_slice %arg2[%dma_wait3A_115] : memref<320000xi32, #tpu.memory_space<hbm>> -> memref<88xi32, #tpu.memory_space<hbm>>
    tpu.wait_dma2 semaphore(%arg19 : memref<!tpu.dma_semaphore, #tpu.memory_space<semaphore_mem>>) src(%dma_wait3A_116 : memref<88xi32, #tpu.memory_space<hbm>>) dst(%dma_wait3A_114 : memref<88xi32, #tpu.memory_space<vmem>>)
    %dma_wait3A_117 = arith.constant 0 : i32
    %dma_wait3A_118 = tpu.memref_slice %arg16[%dma_wait3A_117] : memref<88xi32, #tpu.memory_space<vmem>> -> memref<88xi32, #tpu.memory_space<vmem>>
    %dma_wait3A_119 = arith.constant 0 : i32
    %dma_wait3A_120 = tpu.memref_slice %arg3[%dma_wait3A_119] : memref<320000xi32, #tpu.memory_space<hbm>> -> memref<88xi32, #tpu.memory_space<hbm>>
    %dma_wait3A_121 = arith.constant 0 : i32
    %dma_wait3A_122 = tpu.memref_slice %arg16[%dma_wait3A_121] : memref<88xi32, #tpu.memory_space<vmem>> -> memref<88xi32, #tpu.memory_space<vmem>>
    %dma_wait3A_123 = arith.constant 0 : i32
    %dma_wait3A_124 = tpu.memref_slice %arg3[%dma_wait3A_123] : memref<320000xi32, #tpu.memory_space<hbm>> -> memref<88xi32, #tpu.memory_space<hbm>>
    tpu.wait_dma2 semaphore(%arg19 : memref<!tpu.dma_semaphore, #tpu.memory_space<semaphore_mem>>) src(%dma_wait3A_124 : memref<88xi32, #tpu.memory_space<hbm>>) dst(%dma_wait3A_122 : memref<88xi32, #tpu.memory_space<vmem>>)
    %dma_wait3A_125 = arith.constant 0 : i32
    %dma_wait3A_126 = arith.constant 0 : i32
    %dma_wait3A_127 = tpu.memref_slice %arg18[%dma_wait3A_125, %dma_wait3A_126] : memref<88x32xf32, #tpu.memory_space<vmem>> -> memref<88x32xf32, #tpu.memory_space<vmem>>
    %dma_wait3A_128 = arith.constant 0 : i32
    %dma_wait3A_129 = arith.constant 0 : i32
    %dma_wait3A_130 = tpu.memref_slice %arg5[%dma_wait3A_128, %dma_wait3A_129] : memref<320000x32xf32, #tpu.memory_space<hbm>> -> memref<88x32xf32, #tpu.memory_space<hbm>>
    %dma_wait3A_131 = arith.constant 0 : i32
    %dma_wait3A_132 = arith.constant 0 : i32
    %dma_wait3A_133 = tpu.memref_slice %arg18[%dma_wait3A_131, %dma_wait3A_132] : memref<88x32xf32, #tpu.memory_space<vmem>> -> memref<88x32xf32, #tpu.memory_space<vmem>>
    %dma_wait3A_134 = arith.constant 0 : i32
    %dma_wait3A_135 = arith.constant 0 : i32
    %dma_wait3A_136 = tpu.memref_slice %arg5[%dma_wait3A_134, %dma_wait3A_135] : memref<320000x32xf32, #tpu.memory_space<hbm>> -> memref<88x32xf32, #tpu.memory_space<hbm>>
    tpu.wait_dma2 semaphore(%arg19 : memref<!tpu.dma_semaphore, #tpu.memory_space<semaphore_mem>>) src(%dma_wait3A_136 : memref<88x32xf32, #tpu.memory_space<hbm>>) dst(%dma_wait3A_133 : memref<88x32xf32, #tpu.memory_space<vmem>>)
    %add3A_137 = arith.constant 9944 : i32
    %add3A_138 = arith.addi %add3A, %add3A_137 : i32
    %dma_start3A_139 = arith.constant 0 : i32
    %dma_start3A_140 = tpu.memref_slice %arg15[%dma_start3A_139] : memref<88xi32, #tpu.memory_space<vmem>> -> memref<56xi32, #tpu.memory_space<vmem>>
    %dma_start3A_141 = tpu.memref_slice %arg2[%add3A_138] : memref<320000xi32, #tpu.memory_space<hbm>> -> memref<56xi32, #tpu.memory_space<hbm>>
    %dma_start3A_142 = arith.constant 0 : i32
    %dma_start3A_143 = tpu.memref_slice %arg15[%dma_start3A_142] : memref<88xi32, #tpu.memory_space<vmem>> -> memref<56xi32, #tpu.memory_space<vmem>>
    %dma_start3A_144 = tpu.memref_slice %arg2[%add3A_138] : memref<320000xi32, #tpu.memory_space<hbm>> -> memref<56xi32, #tpu.memory_space<hbm>>
    tpu.enqueue_dma source(%dma_start3A_144 : memref<56xi32, #tpu.memory_space<hbm>>) target(%dma_start3A_143 : memref<56xi32, #tpu.memory_space<vmem>>) target_semaphore(%arg19 : memref<!tpu.dma_semaphore, #tpu.memory_space<semaphore_mem>>)
    %dma_start3A_145 = arith.constant 0 : i32
    %dma_start3A_146 = tpu.memref_slice %arg16[%dma_start3A_145] : memref<88xi32, #tpu.memory_space<vmem>> -> memref<56xi32, #tpu.memory_space<vmem>>
    %dma_start3A_147 = tpu.memref_slice %arg3[%add3A_138] : memref<320000xi32, #tpu.memory_space<hbm>> -> memref<56xi32, #tpu.memory_space<hbm>>
    %dma_start3A_148 = arith.constant 0 : i32
    %dma_start3A_149 = tpu.memref_slice %arg16[%dma_start3A_148] : memref<88xi32, #tpu.memory_space<vmem>> -> memref<56xi32, #tpu.memory_space<vmem>>
    %dma_start3A_150 = tpu.memref_slice %arg3[%add3A_138] : memref<320000xi32, #tpu.memory_space<hbm>> -> memref<56xi32, #tpu.memory_space<hbm>>
    tpu.enqueue_dma source(%dma_start3A_150 : memref<56xi32, #tpu.memory_space<hbm>>) target(%dma_start3A_149 : memref<56xi32, #tpu.memory_space<vmem>>) target_semaphore(%arg19 : memref<!tpu.dma_semaphore, #tpu.memory_space<semaphore_mem>>)
    %dma_start3A_151 = arith.constant 0 : i32
    %dma_start3A_152 = arith.constant 0 : i32
    %dma_start3A_153 = tpu.memref_slice %arg18[%dma_start3A_151, %dma_start3A_152] : memref<88x32xf32, #tpu.memory_space<vmem>> -> memref<56x32xf32, #tpu.memory_space<vmem>>
    %dma_start3A_154 = arith.constant 0 : i32
    %dma_start3A_155 = tpu.memref_slice %arg5[%add3A_138, %dma_start3A_154] : memref<320000x32xf32, #tpu.memory_space<hbm>> -> memref<56x32xf32, #tpu.memory_space<hbm>>
    %dma_start3A_156 = arith.constant 0 : i32
    %dma_start3A_157 = arith.constant 0 : i32
    %dma_start3A_158 = tpu.memref_slice %arg18[%dma_start3A_156, %dma_start3A_157] : memref<88x32xf32, #tpu.memory_space<vmem>> -> memref<56x32xf32, #tpu.memory_space<vmem>>
    %dma_start3A_159 = arith.constant 0 : i32
    %dma_start3A_160 = tpu.memref_slice %arg5[%add3A_138, %dma_start3A_159] : memref<320000x32xf32, #tpu.memory_space<hbm>> -> memref<56x32xf32, #tpu.memory_space<hbm>>
    tpu.enqueue_dma source(%dma_start3A_160 : memref<56x32xf32, #tpu.memory_space<hbm>>) target(%dma_start3A_158 : memref<56x32xf32, #tpu.memory_space<vmem>>) target_semaphore(%arg19 : memref<!tpu.dma_semaphore, #tpu.memory_space<semaphore_mem>>)
    %dma_wait3A_161 = arith.constant 0 : i32
    %dma_wait3A_162 = arith.constant 0 : i32
    %dma_wait3A_163 = tpu.memref_slice %arg10[%dma_wait3A_161, %dma_wait3A_162] : memref<88x128xf32, #tpu.memory_space<vmem>> -> memref<88x128xf32, #tpu.memory_space<vmem>>
    %dma_wait3A_164 = arith.constant 0 : i32
    %dma_wait3A_165 = tpu.memref_slice %arg9[%dma_wait3A_164] : memref<88xi32, #tpu.memory_space<vmem>> -> memref<88xi32, #tpu.memory_space<vmem>>
    %dma_wait3A_166 = arith.constant 0 : i32
    %dma_wait3A_167 = arith.constant 0 : i32
    %dma_wait3A_168 = tpu.memref_slice %arg4[%dma_wait3A_166, %dma_wait3A_167] : memref<10000x128xf32, #tpu.memory_space<hbm>> -> memref<10000x128xf32, #tpu.memory_space<hbm>>
    tpu.wait_indirect_dma semaphore(%arg13 : memref<!tpu.dma_semaphore, #tpu.memory_space<semaphore_mem>>) src(%dma_wait3A_168 : memref<10000x128xf32, #tpu.memory_space<hbm>>) dst(%dma_wait3A_163 : memref<88x128xf32, #tpu.memory_space<vmem>>)
    %dma_start3A_169 = arith.constant 0 : i32
    %dma_start3A_170 = arith.constant 0 : i32
    %dma_start3A_171 = tpu.memref_slice %arg10[%dma_start3A_169, %dma_start3A_170] : memref<88x128xf32, #tpu.memory_space<vmem>> -> memref<88x128xf32, #tpu.memory_space<vmem>>
    %dma_start3A_172 = arith.constant 0 : i32
    %dma_start3A_173 = tpu.memref_slice %arg8[%dma_start3A_172] : memref<88xi32, #tpu.memory_space<vmem>> -> memref<88xi32, #tpu.memory_space<vmem>>
    %dma_start3A_174 = arith.constant 0 : i32
    %dma_start3A_175 = arith.constant 0 : i32
    %dma_start3A_176 = tpu.memref_slice %arg22[%dma_start3A_174, %dma_start3A_175] : memref<10240x128xf32, #tpu.memory_space<vmem_shared>> -> memref<10240x128xf32, #tpu.memory_space<vmem_shared>>
    tpu.enqueue_indirect_dma source(%dma_start3A_171 : memref<88x128xf32, #tpu.memory_space<vmem>>) target(%dma_start3A_176 : memref<10240x128xf32, #tpu.memory_space<vmem_shared>>) offsets(%dma_start3A_173 : memref<88xi32, #tpu.memory_space<vmem>>) semaphore(%arg14 : memref<!tpu.dma_semaphore, #tpu.memory_space<semaphore_mem>>) {add = true}
    %dma_start3A_177 = arith.constant 0 : i32
    %dma_start3A_178 = arith.constant 0 : i32
    %dma_start3A_179 = tpu.memref_slice %arg11[%dma_start3A_177, %dma_start3A_178] : memref<88x32xf32, #tpu.memory_space<vmem>> -> memref<88x32xf32, #tpu.memory_space<vmem>>
    %dma_start3A_180 = arith.constant 0 : i32
    %dma_start3A_181 = tpu.memref_slice %arg8[%dma_start3A_180] : memref<88xi32, #tpu.memory_space<vmem>> -> memref<88xi32, #tpu.memory_space<vmem>>
    %dma_start3A_182 = arith.constant 0 : i32
    %dma_start3A_183 = arith.constant 0 : i32
    %dma_start3A_184 = tpu.memref_slice %arg23[%dma_start3A_182, %dma_start3A_183] : memref<10240x32xf32, #tpu.memory_space<vmem_shared>> -> memref<10240x32xf32, #tpu.memory_space<vmem_shared>>
    tpu.enqueue_indirect_dma source(%dma_start3A_179 : memref<88x32xf32, #tpu.memory_space<vmem>>) target(%dma_start3A_184 : memref<10240x32xf32, #tpu.memory_space<vmem_shared>>) offsets(%dma_start3A_181 : memref<88xi32, #tpu.memory_space<vmem>>) semaphore(%arg14 : memref<!tpu.dma_semaphore, #tpu.memory_space<semaphore_mem>>) {add = true}
    %dma_wait3A_185 = arith.constant 0 : i32
    %dma_wait3A_186 = tpu.memref_slice %arg15[%dma_wait3A_185] : memref<88xi32, #tpu.memory_space<vmem>> -> memref<56xi32, #tpu.memory_space<vmem>>
    %dma_wait3A_187 = arith.constant 0 : i32
    %dma_wait3A_188 = tpu.memref_slice %arg2[%dma_wait3A_187] : memref<320000xi32, #tpu.memory_space<hbm>> -> memref<56xi32, #tpu.memory_space<hbm>>
    %dma_wait3A_189 = arith.constant 0 : i32
    %dma_wait3A_190 = tpu.memref_slice %arg15[%dma_wait3A_189] : memref<88xi32, #tpu.memory_space<vmem>> -> memref<56xi32, #tpu.memory_space<vmem>>
    %dma_wait3A_191 = arith.constant 0 : i32
    %dma_wait3A_192 = tpu.memref_slice %arg2[%dma_wait3A_191] : memref<320000xi32, #tpu.memory_space<hbm>> -> memref<56xi32, #tpu.memory_space<hbm>>
    tpu.wait_dma2 semaphore(%arg19 : memref<!tpu.dma_semaphore, #tpu.memory_space<semaphore_mem>>) src(%dma_wait3A_192 : memref<56xi32, #tpu.memory_space<hbm>>) dst(%dma_wait3A_190 : memref<56xi32, #tpu.memory_space<vmem>>)
    %dma_wait3A_193 = arith.constant 0 : i32
    %dma_wait3A_194 = tpu.memref_slice %arg16[%dma_wait3A_193] : memref<88xi32, #tpu.memory_space<vmem>> -> memref<56xi32, #tpu.memory_space<vmem>>
    %dma_wait3A_195 = arith.constant 0 : i32
    %dma_wait3A_196 = tpu.memref_slice %arg3[%dma_wait3A_195] : memref<320000xi32, #tpu.memory_space<hbm>> -> memref<56xi32, #tpu.memory_space<hbm>>
    %dma_wait3A_197 = arith.constant 0 : i32
    %dma_wait3A_198 = tpu.memref_slice %arg16[%dma_wait3A_197] : memref<88xi32, #tpu.memory_space<vmem>> -> memref<56xi32, #tpu.memory_space<vmem>>
    %dma_wait3A_199 = arith.constant 0 : i32
    %dma_wait3A_200 = tpu.memref_slice %arg3[%dma_wait3A_199] : memref<320000xi32, #tpu.memory_space<hbm>> -> memref<56xi32, #tpu.memory_space<hbm>>
    tpu.wait_dma2 semaphore(%arg19 : memref<!tpu.dma_semaphore, #tpu.memory_space<semaphore_mem>>) src(%dma_wait3A_200 : memref<56xi32, #tpu.memory_space<hbm>>) dst(%dma_wait3A_198 : memref<56xi32, #tpu.memory_space<vmem>>)
    %dma_wait3A_201 = arith.constant 0 : i32
    %dma_wait3A_202 = arith.constant 0 : i32
    %dma_wait3A_203 = tpu.memref_slice %arg18[%dma_wait3A_201, %dma_wait3A_202] : memref<88x32xf32, #tpu.memory_space<vmem>> -> memref<56x32xf32, #tpu.memory_space<vmem>>
    %dma_wait3A_204 = arith.constant 0 : i32
    %dma_wait3A_205 = arith.constant 0 : i32
    %dma_wait3A_206 = tpu.memref_slice %arg5[%dma_wait3A_204, %dma_wait3A_205] : memref<320000x32xf32, #tpu.memory_space<hbm>> -> memref<56x32xf32, #tpu.memory_space<hbm>>
    %dma_wait3A_207 = arith.constant 0 : i32
    %dma_wait3A_208 = arith.constant 0 : i32
    %dma_wait3A_209 = tpu.memref_slice %arg18[%dma_wait3A_207, %dma_wait3A_208] : memref<88x32xf32, #tpu.memory_space<vmem>> -> memref<56x32xf32, #tpu.memory_space<vmem>>
    %dma_wait3A_210 = arith.constant 0 : i32
    %dma_wait3A_211 = arith.constant 0 : i32
    %dma_wait3A_212 = tpu.memref_slice %arg5[%dma_wait3A_210, %dma_wait3A_211] : memref<320000x32xf32, #tpu.memory_space<hbm>> -> memref<56x32xf32, #tpu.memory_space<hbm>>
    tpu.wait_dma2 semaphore(%arg19 : memref<!tpu.dma_semaphore, #tpu.memory_space<semaphore_mem>>) src(%dma_wait3A_212 : memref<56x32xf32, #tpu.memory_space<hbm>>) dst(%dma_wait3A_209 : memref<56x32xf32, #tpu.memory_space<vmem>>)
    %dma_start3A_213 = arith.constant 0 : i32
    %dma_start3A_214 = arith.constant 0 : i32
    %dma_start3A_215 = tpu.memref_slice %arg17[%dma_start3A_213, %dma_start3A_214] : memref<88x128xf32, #tpu.memory_space<vmem>> -> memref<56x128xf32, #tpu.memory_space<vmem>>
    %dma_start3A_216 = arith.constant 0 : i32
    %dma_start3A_217 = tpu.memref_slice %arg16[%dma_start3A_216] : memref<88xi32, #tpu.memory_space<vmem>> -> memref<56xi32, #tpu.memory_space<vmem>>
    %dma_start3A_218 = arith.constant 0 : i32
    %dma_start3A_219 = arith.constant 0 : i32
    %dma_start3A_220 = tpu.memref_slice %arg4[%dma_start3A_218, %dma_start3A_219] : memref<10000x128xf32, #tpu.memory_space<hbm>> -> memref<10000x128xf32, #tpu.memory_space<hbm>>
    tpu.enqueue_indirect_dma source(%dma_start3A_220 : memref<10000x128xf32, #tpu.memory_space<hbm>>) target(%dma_start3A_215 : memref<56x128xf32, #tpu.memory_space<vmem>>) offsets(%dma_start3A_217 : memref<56xi32, #tpu.memory_space<vmem>>) semaphore(%arg20 : memref<!tpu.dma_semaphore, #tpu.memory_space<semaphore_mem>>)
    %dma_wait3A_221 = arith.constant 0 : i32
    %dma_wait3A_222 = arith.constant 0 : i32
    %dma_wait3A_223 = tpu.memref_slice %arg17[%dma_wait3A_221, %dma_wait3A_222] : memref<88x128xf32, #tpu.memory_space<vmem>> -> memref<56x128xf32, #tpu.memory_space<vmem>>
    %dma_wait3A_224 = arith.constant 0 : i32
    %dma_wait3A_225 = tpu.memref_slice %arg16[%dma_wait3A_224] : memref<88xi32, #tpu.memory_space<vmem>> -> memref<56xi32, #tpu.memory_space<vmem>>
    %dma_wait3A_226 = arith.constant 0 : i32
    %dma_wait3A_227 = arith.constant 0 : i32
    %dma_wait3A_228 = tpu.memref_slice %arg4[%dma_wait3A_226, %dma_wait3A_227] : memref<10000x128xf32, #tpu.memory_space<hbm>> -> memref<10000x128xf32, #tpu.memory_space<hbm>>
    tpu.wait_indirect_dma semaphore(%arg20 : memref<!tpu.dma_semaphore, #tpu.memory_space<semaphore_mem>>) src(%dma_wait3A_228 : memref<10000x128xf32, #tpu.memory_space<hbm>>) dst(%dma_wait3A_223 : memref<56x128xf32, #tpu.memory_space<vmem>>)
    %dma_wait3A_229 = arith.constant 0 : i32
    %dma_wait3A_230 = arith.constant 0 : i32
    %dma_wait3A_231 = tpu.memref_slice %arg10[%dma_wait3A_229, %dma_wait3A_230] : memref<88x128xf32, #tpu.memory_space<vmem>> -> memref<88x128xf32, #tpu.memory_space<vmem>>
    %dma_wait3A_232 = arith.constant 0 : i32
    %dma_wait3A_233 = tpu.memref_slice %arg8[%dma_wait3A_232] : memref<88xi32, #tpu.memory_space<vmem>> -> memref<88xi32, #tpu.memory_space<vmem>>
    %dma_wait3A_234 = arith.constant 0 : i32
    %dma_wait3A_235 = arith.constant 0 : i32
    %dma_wait3A_236 = tpu.memref_slice %arg22[%dma_wait3A_234, %dma_wait3A_235] : memref<10240x128xf32, #tpu.memory_space<vmem_shared>> -> memref<10240x128xf32, #tpu.memory_space<vmem_shared>>
    tpu.wait_indirect_dma semaphore(%arg14 : memref<!tpu.dma_semaphore, #tpu.memory_space<semaphore_mem>>) src(%dma_wait3A_231 : memref<88x128xf32, #tpu.memory_space<vmem>>) dst(%dma_wait3A_236 : memref<10240x128xf32, #tpu.memory_space<vmem_shared>>)
    %dma_wait3A_237 = arith.constant 0 : i32
    %dma_wait3A_238 = arith.constant 0 : i32
    %dma_wait3A_239 = tpu.memref_slice %arg11[%dma_wait3A_237, %dma_wait3A_238] : memref<88x32xf32, #tpu.memory_space<vmem>> -> memref<88x32xf32, #tpu.memory_space<vmem>>
    %dma_wait3A_240 = arith.constant 0 : i32
    %dma_wait3A_241 = tpu.memref_slice %arg8[%dma_wait3A_240] : memref<88xi32, #tpu.memory_space<vmem>> -> memref<88xi32, #tpu.memory_space<vmem>>
    %dma_wait3A_242 = arith.constant 0 : i32
    %dma_wait3A_243 = arith.constant 0 : i32
    %dma_wait3A_244 = tpu.memref_slice %arg23[%dma_wait3A_242, %dma_wait3A_243] : memref<10240x32xf32, #tpu.memory_space<vmem_shared>> -> memref<10240x32xf32, #tpu.memory_space<vmem_shared>>
    tpu.wait_indirect_dma semaphore(%arg14 : memref<!tpu.dma_semaphore, #tpu.memory_space<semaphore_mem>>) src(%dma_wait3A_239 : memref<88x32xf32, #tpu.memory_space<vmem>>) dst(%dma_wait3A_244 : memref<10240x32xf32, #tpu.memory_space<vmem_shared>>)
    %dma_start3A_245 = arith.constant 0 : i32
    %dma_start3A_246 = arith.constant 0 : i32
    %dma_start3A_247 = tpu.memref_slice %arg17[%dma_start3A_245, %dma_start3A_246] : memref<88x128xf32, #tpu.memory_space<vmem>> -> memref<56x128xf32, #tpu.memory_space<vmem>>
    %dma_start3A_248 = arith.constant 0 : i32
    %dma_start3A_249 = tpu.memref_slice %arg15[%dma_start3A_248] : memref<88xi32, #tpu.memory_space<vmem>> -> memref<56xi32, #tpu.memory_space<vmem>>
    %dma_start3A_250 = arith.constant 0 : i32
    %dma_start3A_251 = arith.constant 0 : i32
    %dma_start3A_252 = tpu.memref_slice %arg22[%dma_start3A_250, %dma_start3A_251] : memref<10240x128xf32, #tpu.memory_space<vmem_shared>> -> memref<10240x128xf32, #tpu.memory_space<vmem_shared>>
    tpu.enqueue_indirect_dma source(%dma_start3A_247 : memref<56x128xf32, #tpu.memory_space<vmem>>) target(%dma_start3A_252 : memref<10240x128xf32, #tpu.memory_space<vmem_shared>>) offsets(%dma_start3A_249 : memref<56xi32, #tpu.memory_space<vmem>>) semaphore(%arg21 : memref<!tpu.dma_semaphore, #tpu.memory_space<semaphore_mem>>) {add = true}
    %dma_start3A_253 = arith.constant 0 : i32
    %dma_start3A_254 = arith.constant 0 : i32
    %dma_start3A_255 = tpu.memref_slice %arg18[%dma_start3A_253, %dma_start3A_254] : memref<88x32xf32, #tpu.memory_space<vmem>> -> memref<56x32xf32, #tpu.memory_space<vmem>>
    %dma_start3A_256 = arith.constant 0 : i32
    %dma_start3A_257 = tpu.memref_slice %arg15[%dma_start3A_256] : memref<88xi32, #tpu.memory_space<vmem>> -> memref<56xi32, #tpu.memory_space<vmem>>
    %dma_start3A_258 = arith.constant 0 : i32
    %dma_start3A_259 = arith.constant 0 : i32
    %dma_start3A_260 = tpu.memref_slice %arg23[%dma_start3A_258, %dma_start3A_259] : memref<10240x32xf32, #tpu.memory_space<vmem_shared>> -> memref<10240x32xf32, #tpu.memory_space<vmem_shared>>
    tpu.enqueue_indirect_dma source(%dma_start3A_255 : memref<56x32xf32, #tpu.memory_space<vmem>>) target(%dma_start3A_260 : memref<10240x32xf32, #tpu.memory_space<vmem_shared>>) offsets(%dma_start3A_257 : memref<56xi32, #tpu.memory_space<vmem>>) semaphore(%arg21 : memref<!tpu.dma_semaphore, #tpu.memory_space<semaphore_mem>>) {add = true}
    %dma_wait3A_261 = arith.constant 0 : i32
    %dma_wait3A_262 = arith.constant 0 : i32
    %dma_wait3A_263 = tpu.memref_slice %arg17[%dma_wait3A_261, %dma_wait3A_262] : memref<88x128xf32, #tpu.memory_space<vmem>> -> memref<56x128xf32, #tpu.memory_space<vmem>>
    %dma_wait3A_264 = arith.constant 0 : i32
    %dma_wait3A_265 = tpu.memref_slice %arg15[%dma_wait3A_264] : memref<88xi32, #tpu.memory_space<vmem>> -> memref<56xi32, #tpu.memory_space<vmem>>
    %dma_wait3A_266 = arith.constant 0 : i32
    %dma_wait3A_267 = arith.constant 0 : i32
    %dma_wait3A_268 = tpu.memref_slice %arg22[%dma_wait3A_266, %dma_wait3A_267] : memref<10240x128xf32, #tpu.memory_space<vmem_shared>> -> memref<10240x128xf32, #tpu.memory_space<vmem_shared>>
    tpu.wait_indirect_dma semaphore(%arg21 : memref<!tpu.dma_semaphore, #tpu.memory_space<semaphore_mem>>) src(%dma_wait3A_263 : memref<56x128xf32, #tpu.memory_space<vmem>>) dst(%dma_wait3A_268 : memref<10240x128xf32, #tpu.memory_space<vmem_shared>>)
    %dma_wait3A_269 = arith.constant 0 : i32
    %dma_wait3A_270 = arith.constant 0 : i32
    %dma_wait3A_271 = tpu.memref_slice %arg18[%dma_wait3A_269, %dma_wait3A_270] : memref<88x32xf32, #tpu.memory_space<vmem>> -> memref<56x32xf32, #tpu.memory_space<vmem>>
    %dma_wait3A_272 = arith.constant 0 : i32
    %dma_wait3A_273 = tpu.memref_slice %arg15[%dma_wait3A_272] : memref<88xi32, #tpu.memory_space<vmem>> -> memref<56xi32, #tpu.memory_space<vmem>>
    %dma_wait3A_274 = arith.constant 0 : i32
    %dma_wait3A_275 = arith.constant 0 : i32
    %dma_wait3A_276 = tpu.memref_slice %arg23[%dma_wait3A_274, %dma_wait3A_275] : memref<10240x32xf32, #tpu.memory_space<vmem_shared>> -> memref<10240x32xf32, #tpu.memory_space<vmem_shared>>
    tpu.wait_indirect_dma semaphore(%arg21 : memref<!tpu.dma_semaphore, #tpu.memory_space<semaphore_mem>>) src(%dma_wait3A_271 : memref<56x32xf32, #tpu.memory_space<vmem>>) dst(%dma_wait3A_276 : memref<10240x32xf32, #tpu.memory_space<vmem_shared>>)
    %barrier3A_277 = arith.constant 0 : index
    tpu.barrier barrier_id(%barrier3A_277)
    "tpu.region"() ({
      %run_scoped3A = tpu.sem_alloc : memref<!tpu.dma_semaphore, #tpu.memory_space<semaphore_mem>>
      %dma_start3A_278 = arith.constant 0 : i32
      %dma_start3A_279 = tpu.memref_slice %arg6[%arg0, %mul3A_0, %dma_start3A_278] : memref<2x10240x128xf32, #tpu.memory_space<hbm>> -> memref<1x640x128xf32, #tpu.memory_space<hbm>>
      %dma_start3A_280 = tpu.memref_squeeze %dma_start3A_279 : memref<1x640x128xf32, #tpu.memory_space<hbm>> -> memref<640x128xf32, #tpu.memory_space<hbm>>
      %dma_start3A_281 = arith.constant 0 : i32
      %dma_start3A_282 = tpu.memref_slice %arg22[%mul3A_0, %dma_start3A_281] : memref<10240x128xf32, #tpu.memory_space<vmem_shared>> -> memref<640x128xf32, #tpu.memory_space<vmem_shared>>
      tpu.enqueue_dma source(%dma_start3A_282 : memref<640x128xf32, #tpu.memory_space<vmem_shared>>) target(%dma_start3A_280 : memref<640x128xf32, #tpu.memory_space<hbm>>) target_semaphore(%run_scoped3A : memref<!tpu.dma_semaphore, #tpu.memory_space<semaphore_mem>>)
      %dma_wait3A_283 = arith.constant 0 : i32
      %dma_wait3A_284 = tpu.memref_slice %arg6[%arg0, %mul3A_0, %dma_wait3A_283] : memref<2x10240x128xf32, #tpu.memory_space<hbm>> -> memref<1x640x128xf32, #tpu.memory_space<hbm>>
      %dma_wait3A_285 = tpu.memref_squeeze %dma_wait3A_284 : memref<1x640x128xf32, #tpu.memory_space<hbm>> -> memref<640x128xf32, #tpu.memory_space<hbm>>
      %dma_wait3A_286 = arith.constant 0 : i32
      %dma_wait3A_287 = tpu.memref_slice %arg22[%mul3A_0, %dma_wait3A_286] : memref<10240x128xf32, #tpu.memory_space<vmem_shared>> -> memref<640x128xf32, #tpu.memory_space<vmem_shared>>
      tpu.wait_dma2 semaphore(%run_scoped3A : memref<!tpu.dma_semaphore, #tpu.memory_space<semaphore_mem>>) src(%dma_wait3A_287 : memref<640x128xf32, #tpu.memory_space<vmem_shared>>) dst(%dma_wait3A_285 : memref<640x128xf32, #tpu.memory_space<hbm>>)
      tpu.yield
    }) : () -> ()
    "tpu.region"() ({
      %run_scoped3A = tpu.sem_alloc : memref<!tpu.dma_semaphore, #tpu.memory_space<semaphore_mem>>
      %dma_start3A_278 = arith.constant 0 : i32
      %dma_start3A_279 = tpu.memref_slice %arg7[%arg0, %mul3A_0, %dma_start3A_278] : memref<2x10240x32xf32, #tpu.memory_space<hbm>> -> memref<1x640x32xf32, #tpu.memory_space<hbm>>
      %dma_start3A_280 = tpu.memref_squeeze %dma_start3A_279 : memref<1x640x32xf32, #tpu.memory_space<hbm>> -> memref<640x32xf32, #tpu.memory_space<hbm>>
      %dma_start3A_281 = arith.constant 0 : i32
      %dma_start3A_282 = tpu.memref_slice %arg23[%mul3A_0, %dma_start3A_281] : memref<10240x32xf32, #tpu.memory_space<vmem_shared>> -> memref<640x32xf32, #tpu.memory_space<vmem_shared>>
      tpu.enqueue_dma source(%dma_start3A_282 : memref<640x32xf32, #tpu.memory_space<vmem_shared>>) target(%dma_start3A_280 : memref<640x32xf32, #tpu.memory_space<hbm>>) target_semaphore(%run_scoped3A : memref<!tpu.dma_semaphore, #tpu.memory_space<semaphore_mem>>)
      %dma_wait3A_283 = arith.constant 0 : i32
      %dma_wait3A_284 = tpu.memref_slice %arg7[%arg0, %mul3A_0, %dma_wait3A_283] : memref<2x10240x32xf32, #tpu.memory_space<hbm>> -> memref<1x640x32xf32, #tpu.memory_space<hbm>>
      %dma_wait3A_285 = tpu.memref_squeeze %dma_wait3A_284 : memref<1x640x32xf32, #tpu.memory_space<hbm>> -> memref<640x32xf32, #tpu.memory_space<hbm>>
      %dma_wait3A_286 = arith.constant 0 : i32
      %dma_wait3A_287 = tpu.memref_slice %arg23[%mul3A_0, %dma_wait3A_286] : memref<10240x32xf32, #tpu.memory_space<vmem_shared>> -> memref<640x32xf32, #tpu.memory_space<vmem_shared>>
      tpu.wait_dma2 semaphore(%run_scoped3A : memref<!tpu.dma_semaphore, #tpu.memory_space<semaphore_mem>>) src(%dma_wait3A_287 : memref<640x32xf32, #tpu.memory_space<vmem_shared>>) dst(%dma_wait3A_285 : memref<640x32xf32, #tpu.memory_space<hbm>>)
      tpu.yield
    }) : () -> ()
    return
  }
}

module attributes {stable_mosaic.version = 14 : i64} {
  func.func @body(%arg0: i32, %arg1: memref<2x1000x128xf32, #tpu.memory_space<vmem>>, %arg2: memref<2x1000x32xf32, #tpu.memory_space<vmem>>, %arg3: memref<1000x128xf32, #tpu.memory_space<vmem>>, %arg4: memref<128x128xf32, #tpu.memory_space<vmem>>, %arg5: memref<32x128xf32, #tpu.memory_space<vmem>>, %arg6: memref<128x128xf32, #tpu.memory_space<vmem>>, %arg7: memref<1x128xf32, #tpu.memory_space<vmem>>, %arg8: memref<1x128xf32, #tpu.memory_space<vmem>>, %arg9: memref<1000x128xf32, #tpu.memory_space<vmem>>) attributes {dimension_semantics = [#tpu.dimension_semantics<arbitrary>], iteration_bounds = array<i64: 10>, scalar_prefetch = 0 : i64, scratch_operands = 0 : i64, tpu.core_type = #tpu.core_type<tc>, window_params = [{transform_indices = @transform_0, window_bounds = array<i64: 2, 1000, 128>}, {transform_indices = @transform_1, window_bounds = array<i64: 2, 1000, 32>}, {transform_indices = @transform_2, window_bounds = array<i64: 1000, 128>}, {pipeline_mode = #tpu.pipeline_mode<synchronous>, transform_indices = @transform_3, window_bounds = array<i64: 128, 128>}, {pipeline_mode = #tpu.pipeline_mode<synchronous>, transform_indices = @transform_4, window_bounds = array<i64: 32, 128>}, {pipeline_mode = #tpu.pipeline_mode<synchronous>, transform_indices = @transform_5, window_bounds = array<i64: 128, 128>}, {pipeline_mode = #tpu.pipeline_mode<synchronous>, transform_indices = @transform_6, window_bounds = array<i64: 1, 128>}, {pipeline_mode = #tpu.pipeline_mode<synchronous>, transform_indices = @transform_7, window_bounds = array<i64: 1, 128>}, {transform_indices = @transform_8, window_bounds = array<i64: 1000, 128>}]} {
    %get3A = arith.constant 0 : index
    %get3A_0 = arith.constant 0 : index
    %get3A_1 = arith.constant 0 : index
    %get3A_2 = vector.load %arg1[%get3A, %get3A_0, %get3A_1] : memref<2x1000x128xf32, #tpu.memory_space<vmem>>, vector<1x1000x128xf32>
    %get3A_3 = vector.shape_cast %get3A_2 : vector<1x1000x128xf32> to vector<1000x128xf32>
    %get3A_4 = arith.constant 1 : index
    %get3A_5 = arith.constant 0 : index
    %get3A_6 = arith.constant 0 : index
    %get3A_7 = vector.load %arg1[%get3A_4, %get3A_5, %get3A_6] : memref<2x1000x128xf32, #tpu.memory_space<vmem>>, vector<1x1000x128xf32>
    %get3A_8 = vector.shape_cast %get3A_7 : vector<1x1000x128xf32> to vector<1000x128xf32>
    %add3A = arith.addf %get3A_3, %get3A_8 : vector<1000x128xf32>
    %get3A_9 = arith.constant 0 : index
    %get3A_10 = arith.constant 0 : index
    %get3A_11 = arith.constant 0 : index
    %get3A_12 = vector.load %arg2[%get3A_9, %get3A_10, %get3A_11] : memref<2x1000x32xf32, #tpu.memory_space<vmem>>, vector<1x1000x32xf32>
    %get3A_13 = vector.shape_cast %get3A_12 : vector<1x1000x32xf32> to vector<1000x32xf32>
    %get3A_14 = arith.constant 1 : index
    %get3A_15 = arith.constant 0 : index
    %get3A_16 = arith.constant 0 : index
    %get3A_17 = vector.load %arg2[%get3A_14, %get3A_15, %get3A_16] : memref<2x1000x32xf32, #tpu.memory_space<vmem>>, vector<1x1000x32xf32>
    %get3A_18 = vector.shape_cast %get3A_17 : vector<1x1000x32xf32> to vector<1000x32xf32>
    %add3A_19 = arith.addf %get3A_13, %get3A_18 : vector<1000x32xf32>
    %get3A_20 = arith.constant 0 : index
    %get3A_21 = arith.constant 0 : index
    %get3A_22 = vector.load %arg4[%get3A_20, %get3A_21] : memref<128x128xf32, #tpu.memory_space<vmem>>, vector<128x128xf32>
    %dot_general3A = arith.constant dense<0.000000e+00> : vector<1000x128xf32>
    %dot_general3A_23 = tpu.matmul %add3A, %get3A_22, %dot_general3A {dimension_numbers = #tpu.dot_dimension_numbers<[1], [0], [0], [1], [0, 0, 1, 1], [], []>, transpose_lhs_hint = false} : vector<1000x128xf32>, vector<128x128xf32>, vector<1000x128xf32> -> vector<1000x128xf32>
    %get3A_24 = arith.constant 0 : index
    %get3A_25 = arith.constant 0 : index
    %get3A_26 = vector.load %arg5[%get3A_24, %get3A_25] : memref<32x128xf32, #tpu.memory_space<vmem>>, vector<32x128xf32>
    %dot_general3A_27 = arith.constant dense<0.000000e+00> : vector<1000x128xf32>
    %dot_general3A_28 = tpu.matmul %add3A_19, %get3A_26, %dot_general3A_27 {dimension_numbers = #tpu.dot_dimension_numbers<[1], [0], [0], [1], [0, 0, 1, 1], [], []>, transpose_lhs_hint = false} : vector<1000x32xf32>, vector<32x128xf32>, vector<1000x128xf32> -> vector<1000x128xf32>
    %add3A_29 = arith.addf %dot_general3A_23, %dot_general3A_28 : vector<1000x128xf32>
    %get3A_30 = arith.constant 0 : index
    %get3A_31 = arith.constant 0 : index
    %get3A_32 = vector.load %arg7[%get3A_30, %get3A_31] : memref<1x128xf32, #tpu.memory_space<vmem>>, vector<1x128xf32>
    %add3A_33 = vector.broadcast %get3A_32 : vector<1x128xf32> to vector<1000x128xf32>
    %add3A_34 = arith.addf %add3A_29, %add3A_33 : vector<1000x128xf32>
    %mul3A = arith.constant 5.000000e-01 : f32
    %mul3A_35 = vector.broadcast %mul3A : f32 to vector<1000x128xf32>
    %mul3A_36 = arith.mulf %mul3A_35, %add3A_34 : vector<1000x128xf32>
    %get3A_37 = arith.constant 0 : index
    %get3A_38 = arith.constant 0 : index
    %get3A_39 = vector.load %arg3[%get3A_37, %get3A_38] : memref<1000x128xf32, #tpu.memory_space<vmem>>, vector<1000x128xf32>
    %get3A_40 = arith.constant 0 : index
    %get3A_41 = arith.constant 0 : index
    %get3A_42 = vector.load %arg6[%get3A_40, %get3A_41] : memref<128x128xf32, #tpu.memory_space<vmem>>, vector<128x128xf32>
    %dot_general3A_43 = arith.constant dense<0.000000e+00> : vector<1000x128xf32>
    %dot_general3A_44 = tpu.matmul %get3A_39, %get3A_42, %dot_general3A_43 {dimension_numbers = #tpu.dot_dimension_numbers<[1], [0], [0], [1], [0, 0, 1, 1], [], []>, transpose_lhs_hint = false} : vector<1000x128xf32>, vector<128x128xf32>, vector<1000x128xf32> -> vector<1000x128xf32>
    %add3A_45 = arith.addf %mul3A_36, %dot_general3A_44 : vector<1000x128xf32>
    %get3A_46 = arith.constant 0 : index
    %get3A_47 = arith.constant 0 : index
    %get3A_48 = vector.load %arg8[%get3A_46, %get3A_47] : memref<1x128xf32, #tpu.memory_space<vmem>>, vector<1x128xf32>
    %add3A_49 = vector.broadcast %get3A_48 : vector<1x128xf32> to vector<1000x128xf32>
    %add3A_50 = arith.addf %add3A_45, %add3A_49 : vector<1000x128xf32>
    %swap3A = arith.constant 0 : index
    %swap3A_51 = arith.constant 0 : index
    %swap3A_52 = vector.load %arg9[%swap3A, %swap3A_51] : memref<1000x128xf32, #tpu.memory_space<vmem>>, vector<1000x128xf32>
    tpu.vector_store %arg9[%swap3A, %swap3A_51], %add3A_50 {strides = array<i32>} : memref<1000x128xf32, #tpu.memory_space<vmem>>, vector<1000x128xf32>,
    return
  }
  func.func @transform_0(%arg0: i32) -> (i32, i32, i32) {
    %c0_i32 = arith.constant 0 : i32
    %c0_i32_0 = arith.constant 0 : i32
    %c0_i32_1 = arith.constant 0 : i32
    return %c0_i32, %arg0, %c0_i32_0 : i32, i32, i32
  }
  func.func @transform_1(%arg0: i32) -> (i32, i32, i32) {
    %c0_i32 = arith.constant 0 : i32
    %c0_i32_0 = arith.constant 0 : i32
    %c0_i32_1 = arith.constant 0 : i32
    return %c0_i32, %arg0, %c0_i32_0 : i32, i32, i32
  }
  func.func @transform_2(%arg0: i32) -> (i32, i32) {
    %c0_i32 = arith.constant 0 : i32
    %c0_i32_0 = arith.constant 0 : i32
    return %arg0, %c0_i32 : i32, i32
  }
  func.func @transform_3(%arg0: i32) -> (i32, i32) {
    %c0_i32 = arith.constant 0 : i32
    %c0_i32_0 = arith.constant 0 : i32
    %c0_i32_1 = arith.constant 0 : i32
    return %c0_i32, %c0_i32_0 : i32, i32
  }
  func.func @transform_4(%arg0: i32) -> (i32, i32) {
    %c0_i32 = arith.constant 0 : i32
    %c0_i32_0 = arith.constant 0 : i32
    %c0_i32_1 = arith.constant 0 : i32
    return %c0_i32, %c0_i32_0 : i32, i32
  }
  func.func @transform_5(%arg0: i32) -> (i32, i32) {
    %c0_i32 = arith.constant 0 : i32
    %c0_i32_0 = arith.constant 0 : i32
    %c0_i32_1 = arith.constant 0 : i32
    return %c0_i32, %c0_i32_0 : i32, i32
  }
  func.func @transform_6(%arg0: i32) -> (i32, i32) {
    %c0_i32 = arith.constant 0 : i32
    %c0_i32_0 = arith.constant 0 : i32
    %c0_i32_1 = arith.constant 0 : i32
    return %c0_i32, %c0_i32_0 : i32, i32
  }
  func.func @transform_7(%arg0: i32) -> (i32, i32) {
    %c0_i32 = arith.constant 0 : i32
    %c0_i32_0 = arith.constant 0 : i32
    %c0_i32_1 = arith.constant 0 : i32
    return %c0_i32, %c0_i32_0 : i32, i32
  }
  func.func @transform_8(%arg0: i32) -> (i32, i32) {
    %c0_i32 = arith.constant 0 : i32
    %c0_i32_0 = arith.constant 0 : i32
    return %arg0, %c0_i32 : i32, i32
  }
}

</mosaic_0001>

<sc_bundles>
// kernel: kernel.4.cloned.1.call-start
scs
__scs_entry_jumppad:
0x0: {  	(pc) =	sbr.rel $0x88, $3  }
0x1: {  	(tag) =	ssettag $0x0;
	lr =	simm.s32 $0x1  }
0x2: {  	[smem:$0x3F99] =	sst lr;
	_ =	strace $0xD0000000  }
0x3: {  	_ = 	snop  }
0x4: {  	_ = 	snop  }
0x5: {  	_ = 	snop  }
0x6: {  	_ = 	snop  }
0x7: {  	_ = 	snop  }
__scs_overlays_trampoline_lowered:
0x8: {  	[smem:$0x3FA8] =	sst s0  }
0x9: {  	[smem:$0x3FA9] =	sst s1  }
0xa: {  	[smem:$0x3FAA] =	sst s2  }
0xb: {  	[smem:$0x3FAB] =	sst s3  }
0xc: {  	[smem:$0x3FAC] =	sst s4  }
0xd: {  	[smem:$0x3FAD] =	sst s5  }
0xe: {  	[smem:$0x3FAE] =	sst s6  }
0xf: {  	[smem:$0x3FAF] =	sst s7  }
0x10: {  	[smem:$0x3FB0] =	sst s8  }
0x11: {  	[smem:$0x3FB1] =	sst s9;
	s0 =	simm.s32 @!p0 $0x0  }
0x12: {  	s1 =	sld [smem:$0x3F97];
	s0 =	simm.s32 @p0 $0x1  }
0x13: {  	[smem:$0x3FB2] =	sst s0;
	s0 =	simm.s32 @!p1 $0x0  }
0x14: {  	s2 =	sld [smem:$0x3F96];
	s0 =	simm.s32 @p1 $0x1  }
0x15: {  	[smem:$0x3FB3] =	sst s0;
	s0 =	simm.s32 @!p2 $0x0  }
0x16: {  	s3 =	sld [smem:$0x3FDB];
	s0 =	simm.s32 @p2 $0x1  }
0x17: {  	s4 =	simm.s32 $0x1BF5;
	[smem:$0x3FB5] =	sst s0  }
0x18: {  	s0 =	sld [smem:$0x3F98];
	_ =	swait.ge [sflag:s4], $0x0  }
0x19: {  	s7 =	sld [smem:$0x3F99]  }
0x1a: {  	s8 =	sadd.s32 $0xFFFFE003, lr  }
0x1b: {  	s9 =	sadd.s32 $0xFFFFFEF7, lr;
	s5 =	simm.s32 $0xFFFFFFFF;
	p2 =	slt.u32 s8, $0xFFFFF086  }
0x1c: {  	p1 =	slt.u32 s9, $0xF7A;
	s5 =	simm.s32 @!p2 $0x0  }
0x1d: {  	s5 =	simm.s32 @p1 $0x1;
	p0 =	seq.s32 s7, s2  }
0x1e: {  	s7 =	smul.u32 @!p0 $0xF7A, s2;
	p2 =	seq.s32 @!p0 s5, $0x0  }
0x1f: {  	s9 =	smul.u32 $0xF7A, s1;
	s8 =	simm.s32 @!p0 $0x1BF5;
	p2 =	por !p2, p0  }
0x20: {  	[sflag:s8] =	ssyncset.s32 @!p0 $0xFFFFF086;
	s6 =	sadd.s32 @!p0 s3, s7;
	s7 =	simm.s32 @!p0 $0x108  }
0x21: {  	s3 =	sadd.s32 s3, s9;
	s6 =	sadd.s32 @!p0 $0x88, s6;
	s7 =	simm.s32 @p2 $0x1082  }
0x22: {  	[simem:s7], [sflag:s8] =	dma.local @!p0 [hbm:s6], $0xF7A  }
0x23: {  	s9 =	sor.u32 $0xD0000000, s2;
	s6 =	simm.s32 $0x108;
	_ =	swait.ge @!p0 [sflag:s8], $0x0  }
0x24: {  	s3 =	sadd.s32 $0x88, s3;
	s6 =	simm.s32 @!p1 $0x1082;
	[sflag:s4] =	ssyncset.s32 $0xFFFFF086  }
0x25: {  	[simem:s6], [sflag:s4] =	dma.local [hbm:s3], $0xF7A  }
0x26: {  	[smem:$0x3F99] =	sst s1;
	(tag) =	ssettag s2;
	_ =	strace s9  }
0x27: {  	s1 =	sld [smem:$0x3FA9]  }
0x28: {  	s2 =	sld [smem:$0x3FAA]  }
0x29: {  	s4 =	sld [smem:$0x3FAC]  }
0x2a: {  	p0 =	seq.s32 s5, $0x0;
	s5 =	sld [smem:$0x3FAD]  }
0x2b: {  	s6 =	sld [smem:$0x3FAE]  }
0x2c: {  	s7 =	sld [smem:$0x3FAF]  }
0x2d: {  	s3 =	simm.s32 $0x108;
	s8 =	sld [smem:$0x3FB0]  }
0x2e: {  	s3 =	simm.s32 @!p0 $0x1082;
	s9 =	sld [smem:$0x3FB1]  }
0x2f: {  	lr =	sadd.s32 s0, s3;
	s0 =	sld [smem:$0x3FA8]  }
0x30: {  	s3 =	sld [smem:$0x3FAB]  }
0x31: {  	[smem:$0x3FB4] =	sst s10  }
0x32: {  	s10 =	sld [smem:$0x3FB2];
	_ =	sdelay $0x3  }
0x33: {  	p0 =	seq.s32 s10, $0x1;
	s10 =	sld [smem:$0x3FB4];
	_ =	sdelay $0x3  }
0x34: {  	[smem:$0x3FB4] =	sst s10  }
0x35: {  	s10 =	sld [smem:$0x3FB3];
	_ =	sdelay $0x3  }
0x36: {  	p1 =	seq.s32 s10, $0x1;
	s10 =	sld [smem:$0x3FB4];
	_ =	sdelay $0x3  }
0x37: {  	[smem:$0x3FB4] =	sst s10  }
0x38: {  	s10 =	sld [smem:$0x3FB5]  }
0x39: {  	_ = 	snop;
	(pc) =	sbr.ind lr, $3  }
0x3a: {  	_ = 	snop  }
0x3b: {  	_ = 	snop  }
0x3c: {  	p2 =	seq.s32 s10, $0x1;
	s10 =	sld [smem:$0x3FB4]  }
0x3d: {  	_ =	shalt  }
0x3e: {  	_ =	shalt  }
0x3f: {  	_ =	shalt  }
0x40: {  	_ =	shalt  }
0x41: {  	_ =	shalt  }
0x42: {  	_ =	shalt  }
0x43: {  	_ =	shalt  }
0x44: {  	_ =	shalt  }
0x45: {  	_ =	shalt  }
0x46: {  	_ =	shalt  }
0x47: {  	_ =	shalt  }
0x48: {  	_ =	shalt  }
0x49: {  	_ =	shalt  }
0x4a: {  	_ =	shalt  }
0x4b: {  	_ =	shalt  }
0x4c: {  	_ =	shalt  }
0x4d: {  	_ =	shalt  }
0x4e: {  	_ =	shalt  }
0x4f: {  	_ =	shalt  }
0x50: {  	_ =	shalt  }
0x51: {  	_ =	shalt  }
0x52: {  	_ =	shalt  }
0x53: {  	_ =	shalt  }
0x54: {  	_ =	shalt  }
0x55: {  	_ =	shalt  }
0x56: {  	_ =	shalt  }
0x57: {  	_ =	shalt  }
0x58: {  	_ =	shalt  }
0x59: {  	_ =	shalt  }
0x5a: {  	_ =	shalt  }
0x5b: {  	_ =	shalt  }
0x5c: {  	_ =	shalt  }
0x5d: {  	_ =	shalt  }
0x5e: {  	_ =	shalt  }
0x5f: {  	_ =	shalt  }
0x60: {  	_ =	shalt  }
0x61: {  	_ =	shalt  }
0x62: {  	_ =	shalt  }
0x63: {  	_ =	shalt  }
0x64: {  	_ =	shalt  }
0x65: {  	_ =	shalt  }
0x66: {  	_ =	shalt  }
0x67: {  	_ =	shalt  }
0x68: {  	_ =	shalt  }
0x69: {  	_ =	shalt  }
0x6a: {  	_ =	shalt  }
0x6b: {  	_ =	shalt  }
0x6c: {  	_ =	shalt  }
0x6d: {  	_ =	shalt  }
0x6e: {  	_ =	shalt  }
0x6f: {  	_ =	shalt  }
0x70: {  	_ =	shalt  }
0x71: {  	_ =	shalt  }
0x72: {  	_ =	shalt  }
0x73: {  	_ =	shalt  }
0x74: {  	_ =	shalt  }
0x75: {  	_ =	shalt  }
0x76: {  	_ =	shalt  }
0x77: {  	_ =	shalt  }
0x78: {  	_ =	shalt  }
0x79: {  	_ =	shalt  }
0x7a: {  	_ =	shalt  }
0x7b: {  	_ =	shalt  }
0x7c: {  	_ =	shalt  }
0x7d: {  	_ =	shalt  }
0x7e: {  	_ =	shalt  }
0x7f: {  	_ =	shalt  }
0x80: {  	_ =	shalt  }
0x81: {  	_ =	shalt  }
0x82: {  	_ =	shalt  }
0x83: {  	_ =	shalt  }
0x84: {  	_ =	shalt  }
0x85: {  	_ =	shalt  }
0x86: {  	_ =	shalt  }
0x87: {  	_ =	shalt  }
.Lfunc_end0:
.L_simem_size_0:
called_computation.1_lowered:
.L_overlay_start_0:
0x88: {  	s2 =	sld [smem:$0x3FD9]  }
0x89: {  	s3 =	sld [smem:$0x3FFE];
	_ =	sdelay $0x1  }
0x8a: {  	s1 =	srdreg.scid  }
0x8b: {  	s0 =	sand.u32 $0x1, s1  }
0x8c: {  	s17 =	sshll.u32 s0, $0xA;
	s2 =	sadd.s32 s3, s2  }
0x8d: {  	s2 =	sadd.s32 s2, s17  }
0x8e: {  	[smem:$0x3FC0] =	sst s2  }
0x8f: {  	_ = 	snop  }
0x90: {  	s2 =	sld [smem:$0x3FC9]  }
0x91: {  	s18 =	sld [smem:$0x3FD0];
	(tm) =	ssettm $0x1  }
0x92: {  	s4 =	sld [smem:$0x3FFB];
	_ =	sdelay $0x3  }
0x93: {  	_ =	strace s4  }
0x94: {  	s4 =	sld [smem:$0x3FFC];
	_ =	sdelay $0x3  }
0x95: {  	_ =	strace s4  }
0x96: {  	s4 =	sld [smem:$0x3FFD];
	_ =	sdelay $0x3  }
0x97: {  	_ =	strace s4  }
0x98: {  	_ =	strace $0x8FFFFFFF  }
0x99: {  	s19 =	sld [smem:$0x3FDB];
	_ =	sdelay $0x1  }
0x9a: {  	s5 =	simm.s32 $_scs_section_size  }
0x9b: {  	s6 =	simm.s32 $_size__tile_overlayer_lowered;
	s7 =	simm.s32 $_tile_overlayer_lowered  }
0x9c: {  	s22 =	simm.s32 $0x1BFF;
	s21 =	sshll.u32 s7, $0x1;
	s4 =	sadd.s32 s5, s19  }
0x9d: {  	s8 =	simm.s32 $0x0;
	s20 =	sshll.u32 s6, $0x1;
	s6 =	sadd.s32 s21, s4  }
0x9e: {  	[timem:s8], [sflag:s22] =	dma.local [hbm:s6], s20  }
0x9f: {  	_ =	swait.ge [sflag:s22], s20  }
0xa0: {  	s5 =	ssub.s32 $0x0, s20;
	[sflag:s22] =	ssyncset.done $0x0  }
0xa1: {  	[sflag:s22] =	ssyncadd.s32 s5;
	_ =	sdelay $0x1  }
0xa2: {  	s23 =	simm.s32 $0x1B8B  }
0xa3: {  	_ =	swait.ge [sflag:s23], $0x1  }
0xa4: {  	[sflag:s23] =	ssyncset.done $0x0  }
0xa5: {  	s25 =	simm.s32 $0x1B8E;
	s24 =	sld [smem:$0x3FFE];
	[sflag:s23] =	ssyncadd.s32 $0xFFFFFFFF  }
0xa6: {  	s26 =	simm.s32 $execute0_lowered;
	[smem:$0x3FD2] =	sst s25  }
0xa7: {  	s6 =	sshll.u32 s26, $0x1;
	_ =	strace $0x80000049;
	[dreg:$0x1] =	wrdreg $0xFFFFFFFF  }
0xa8: {  	s28 =	simm.s32 $_size_execute0_lowered;
	s4 =	sadd.s32 s4, s6;
	[dreg:$0x0] =	wrdreg $0x0  }
0xa9: {  	s6 =	sshll.u32 s28, $0x1;
	[dreg:$0x2] =	wrdreg s4  }
0xaa: {  	[dreg:$0x3] =	wrdreg s6  }
0xab: {  	[dreg:$0x4] =	wrdreg $0xC0  }
0xac: {  	_ =	task [dreg:s8], $0x5FFFF  }
0xad: {  	[dreg:$0x1] =	wrdreg $0xFFFFFFFF  }
0xae: {  	[dreg:$0x0] =	wrdreg $0x60  }
0xaf: {  	[dreg:$0x2] =	wrdreg s24  }
0xb0: {  	[dreg:$0x3] =	wrdreg s2  }
0xb1: {  	[dreg:$0x4] =	wrdreg s18  }
0xb2: {  	[dreg:$0x5] =	wrdreg $0x6F600  }
0xb3: {  	[dreg:$0x6] =	wrdreg $0x1AF600  }
0xb4: {  	[dreg:$0x7] =	wrdreg $0x9  }
0xb5: {  	_ =	task.clear_ibuf [dreg:s8], $0x8FFFF;
	_ =	strace $0x90000049  }
0xb6: {  	s29 =	simm.s32 $0x9;
	_ =	strace $0x8000004B  }
0xb7: {  	_ =	swait.ge [sflag:s29], $0x1  }
0xb8: {  	[sflag:s29] =	ssyncadd.s32 $0xFFFFFFFF  }
0xb9: {  	_ =	strace $0x9000004B  }
0xba: {  	_ =	sfence  }
0xbb: {  	s30 =	sld [smem:$0x0];
	_ =	sdelay $0x2  }
0xbc: {  	s31 =	sshll.u32 s1, $0xD;
	s1 =	sshrl.u32 s1, $0x2  }
0xbd: {  	s3 =	sand.u32 $0x4000, s31;
	s1 =	sadd.s32 s1, s30  }
0xbe: {  	s0 =	sor.u32 s3, s0;
	s1 =	sshll.u32 s1, $0x11  }
0xbf: {  	s0 =	sor.u32 s1, s0  }
0xc0: {  	s0 =	sadd.s32 $0x8F2B, s0  }
0xc1: {  	[sflag:s0] =	ssyncadd.remote.s32 $0x1  }
0xc2: {  	_ =	sfence.sel $0xFFFF  }
0xc3: {  	[dreg:$0x0] =	wrdreg $0xFFFFFFFF;
	(pc) =	sbr.abs _section_cstart, $3  }
0xc4: {  	[dreg:$0x1] =	wrdreg $0xFFFFFFFF  }
0xc5: {  	_ =	task.clear_ibuf [dreg:s8], $0x2FFFF;
	_ =	strace $0x9FFFFFFF  }
0xc6: {  	(tm) =	ssettm $0x7FFFFFFF  }
0xc7: {  	_ =	shalt  }
tec
execute0_lowered:
.L_overlay_start_1:
0x0: {  	(tag) =	ssettag $0x1  }
0x1: {  	s4 =	rddreg [dreg:$0x0]  }
0x2: {  	s1 =	rddreg [dreg:$0x1]  }
0x3: {  	s9 =	rddreg [dreg:$0x2]  }
0x4: {  	s2 =	rddreg [dreg:$0x3];
	s17 =	stileid.u32  }
0x5: {  	s3 =	rddreg [dreg:$0x4];
	s11 =	smul.u32 $0x14000, s17  }
0x6: {  	s0 =	srdreg.scid;
	s5 =	simm.s32 $0x0;
	s13 =	smul.u32 $0x2710, s17  }
0x7: {  	s28 =	simm.s32 $0x2;
	s10 =	sand.u32 $0x1, s0;
	s23 =	smul.u32 $0x5000, s17  }
0x8: {  	s29 =	simm.s32 $0x5;
	s30 =	simm.s32 $0x3;
	s0 =	smul.u32 $0x140000, s10  }
0x9: {  	s31 =	simm.s32 $0x6;
	[smem:$0x7FF] =	sst s5;
	s12 =	smul.u32 $0x27100, s10  }
0xa: {  	s6 =	sadd.s32 $0x625E00, s4;
	s7 =	sadd.s32 $0x61C000, s4;
	s22 =	smul.u32 $0x50000, s10  }
0xb: {  	s8 =	sadd.s32 $0x1800, s4;
	s15 =	ssub.s32 $0x2, s10;
	s10 =	smul.u32 $0x9C400, s10  }
0xc: {  	s26 =	smul.u32 $0x9C40, s17;
	_ =	strace $0x8000004A;
	s0 =	sadd.s32 s11, s0  }
0xd: {  	s10 =	sadd.s32 s10, s8;
	s14 =	sshrl.u32 s0, $0x3;
	s0 =	sadd.s32 s13, s12  }
0xe: {  	s4 =	sadd.s32 s14, s4;
	s14 =	sshrl.u32 s15, $0x1;
	s13 =	sshrl.u32 s0, $0x3  }
0xf: {  	s18 =	sadd.s32 $0x58, s0;
	s19 =	sshll.u32 s0, $0x2;
	s24 =	sadd.s32 $0x108, s0  }
0x10: {  	s12 =	ssub.s32 s15, s14;
	s16 =	sadd.s32 s6, s13;
	[dreg:$0x6] =	wrdreg s24  }
0x11: {  	s13 =	sadd.s32 s7, s13;
	s20 =	sshrl.u32 s18, $0x3;
	[dreg:$0x7] =	wrdreg s16  }
0x12: {  	s14 =	sshll.u32 s18, $0x2;
	s4 =	sadd.s32 $0x13A000, s4;
	[dreg:$0x8] =	wrdreg s13  }
0x13: {  	s13 =	sadd.s32 s8, s19;
	s21 =	sadd.s32 s6, s20;
	[dreg:$0x11] =	wrdreg s4  }
0x14: {  	s15 =	sadd.s32 s7, s20;
	s14 =	sadd.s32 s8, s14;
	[dreg:$0x9] =	wrdreg s13  }
0x15: {  	s16 =	sadd.s32 $0x26D8, s0;
	s4 =	sadd.s32 s26, s10;
	[dreg:$0xa] =	wrdreg s21  }
0x16: {  	s10 =	sadd.s32 s23, s3;
	s12 =	smax.u32 s12, $0x1;
	[dreg:$0xb] =	wrdreg s15  }
0x17: {  	[dreg:$0xc] =	wrdreg s14;
	s25 =	sshrl.u32 s16, $0x3;
	s13 =	sadd.s32 s23, s22  }
0x18: {  	s16 =	sshll.u32 s16, $0x2;
	[dreg:$0x12] =	wrdreg s12;
	s12 =	smul.u32 $0x280, s17  }
0x19: {  	s15 =	sadd.s32 s11, s2;
	s11 =	sshrl.u32 s11, $0x2;
	s18 =	sadd.s32 s6, s25  }
0x1a: {  	s13 =	sshrl.u32 s13, $0x3;
	s14 =	sadd.s32 s7, s25;
	[dreg:$0xd] =	wrdreg s18  }
0x1b: {  	s16 =	sadd.s32 s8, s16;
	s19 =	sadd.s32 s11, s3;
	[dreg:$0xf] =	wrdreg s14  }
0x1c: {  	s9 =	sadd.s32 s9, s13;
	[dreg:$0x10] =	wrdreg s16;
	s18 =	smul.u32 $0x50000, s17  }
0x1d: {  	[dreg:$0x14] =	wrdreg s19;
	s20 =	sor.u32 $0x50, s12;
	s22 =	sadd.s32 $0xA0, s12  }
0x1e: {  	s25 =	sadd.s32 $0xF0, s12;
	s14 =	sadd.s32 $0x140, s12;
	s17 =	sadd.s32 $0x190, s12  }
0x1f: {  	[dreg:$0xe] =	wrdreg s9;
	s21 =	sshll.u32 s20, $0x7;
	s23 =	sshll.u32 s22, $0x7  }
0x20: {  	s24 =	sshll.u32 s22, $0x5;
	s26 =	sshll.u32 s25, $0x7;
	s16 =	sshll.u32 s14, $0x7  }
0x21: {  	s19 =	sshll.u32 s17, $0x5;
	s9 =	sshrl.u32 s18, $0x2;
	s11 =	sadd.s32 s21, s2  }
0x22: {  	s18 =	sshll.u32 s17, $0x7;
	s21 =	sadd.s32 $0x230, s12;
	s17 =	simm.s32 $0xB0  }
0x23: {  	s9 =	sadd.s32 s9, s2;
	[dreg:$0x15] =	wrdreg s11;
	s11 =	sshll.u32 s25, $0x5  }
0x24: {  	s25 =	sshrl.u32 s15, $0x3;
	[dreg:$0x13] =	wrdreg s9;
	s9 =	sshll.u32 s20, $0x5  }
0x25: {  	s13 =	sadd.s32 s11, s3;
	s11 =	sadd.s32 s16, s2;
	[smem:$0x7FC] =	sst s25  }
0x26: {  	s20 =	sadd.s32 $0x1E0, s12;
	s25 =	simm.s32 $0x4;
	[dreg:$0x1a] =	wrdreg s13  }
0x27: {  	s9 =	sadd.s32 s9, s3;
	[dreg:$0x1b] =	wrdreg s11;
	s22 =	sshll.u32 s20, $0x7  }
0x28: {  	s11 =	sshll.u32 s20, $0x5;
	[dreg:$0x16] =	wrdreg s9;
	s9 =	sadd.s32 s23, s2  }
0x29: {  	s13 =	sadd.s32 $0x2C0, s4;
	s12 =	sadd.s32 s22, s2;
	[dreg:$0x17] =	wrdreg s9  }
0x2a: {  	s20 =	simm.s32 $0x58;
	s11 =	sadd.s32 s11, s3;
	[dreg:$0x1f] =	wrdreg s12  }
0x2b: {  	s23 =	sshll.u32 s21, $0x7;
	s9 =	sadd.s32 s24, s3;
	[smem:$0x7F9] =	sst s11  }
0x2c: {  	s4 =	simm.s32 $0x0;
	s24 =	sadd.s32 s23, s2;
	[dreg:$0x18] =	wrdreg s9  }
0x2d: {  	s22 =	simm.s32 $0x3808;
	s9 =	sadd.s32 s26, s2;
	[smem:$0x7FA] =	sst s24  }
0x2e: {  	s26 =	sshrl.u32 s10, $0x3;
	[dreg:$0x19] =	wrdreg s9;
	s9 =	sshll.u32 s14, $0x5  }
0x2f: {  	s23 =	simm.s32 $0x6460;
	[smem:$0x7FD] =	sst s26;
	s9 =	sadd.s32 s9, s3  }
0x30: {  	s24 =	simm.s32 $0x1;
	[dreg:$0x1c] =	wrdreg s9;
	s9 =	sadd.s32 s18, s2  }
0x31: {  	s14 =	sadd.s32 $0xB0, s0;
	[dreg:$0x1d] =	wrdreg s9;
	s9 =	sadd.s32 s19, s3  }
0x32: {  	s26 =	simm.s32 $0x3860;
	[dreg:$0x1e] =	wrdreg s9;
	s9 =	sshll.u32 s21, $0x5  }
0x33: {  	s0 =	simm.s32 $0x38;
	s18 =	simm.s32 $0x7;
	s9 =	sadd.s32 s9, s3  }
0x34: {  	v0 =	vimm.f32 $0.0e+00;
	s19 =	simm.s32 $0x2CB0;
	s21 =	simm.s32 $0x37B0;
	[smem:$0x7FB] =	sst s9  }
.LBB2_1:
0x35: {  	s10 =	simm.s32 $0x0  }
0x36: {  	[tilespmem:s10+$0x2CB0] =	vst v0  }
0x37: {  	s9 =	simm.s32 $0xF0;
	[tilespmem:s10+$0x2CC0] =	vst v0;
	s10 =	simm.s32 $0x80  }
.LBB2_2:
0x38: {  	p0 =	sne.s32 s10, $0x2780;
	[tilespmem:s9+$0xFFFFFFD0] =	vst v0  }
0x39: {  	[tilespmem:s9+$0xFFFFFFC0] =	vst v0  }
0x3a: {  	[tilespmem:s9+$0xFFFFFFE0] =	vst v0  }
0x3b: {  	[tilespmem:s9+$0xFFFFFFF0] =	vst v0  }
0x3c: {  	[tilespmem:s9+$0x0] =	vst v0  }
.Ltmp0:
0x3d: {  	[tilespmem:s9+$0x10] =	vst v0;
	(pc) =	sbr.rel @p0 .LBB2_2-.Ltmp0, $4  }
0x3e: {  	[tilespmem:s9+$0x20] =	vst v0  }
0x3f: {  	s11 =	sshra.s32 s10, $0x2;
	[tilespmem:s9+$0x30] =	vst v0  }
0x40: {  	[tilespmem:s11+$0x2CB0] =	vst v0  }
0x41: {  	s10 =	sadd.s32 $0x80, s10;
	s9 =	sadd.s32 $0x80, s9;
	[tilespmem:s11+$0x2CC0] =	vst v0  }
0x42: {  	[tilespmem:s9+$0xFFFFFFD0] =	vst v0  }
0x43: {  	[tilespmem:s9+$0xFFFFFFC0] =	vst v0  }
0x44: {  	[tilespmem:s9+$0xFFFFFFE0] =	vst v0  }
0x45: {  	[tilespmem:s9+$0xFFFFFFF0] =	vst v0  }
0x46: {  	[tilespmem:s9+$0x0] =	vst v0  }
0x47: {  	[tilespmem:s9+$0x10] =	vst v0  }
0x48: {  	[tilespmem:s9+$0x20] =	vst v0  }
0x49: {  	[tilespmem:s9+$0x30] =	vst v0;
	s10 =	rddreg [dreg:$0x13]  }
0x4a: {  	[spmem:s10] =	stream.linear.scatter [tilespmem:s17], [sflag:$0x7], $0x2800, $0x38;
	[tilespmem:$0x1FF60] =	vst v63  }
0x4b: {  	_ =	swait.ge [sflag:s18], $0x2800  }
0x4c: {  	[sflag:s18] =	ssyncset.done $0x0  }
0x4d: {  	s11 =	rddreg [dreg:$0x14];
	[sflag:s18] =	ssyncadd.s32 $0xFFFFD800  }
0x4e: {  	[spmem:s11] =	stream.linear.scatter [tilespmem:s19], [sflag:$0x7], $0xA00, $0x38;
	[tilespmem:$0x1FF60] =	vst v63  }
0x4f: {  	_ =	swait.ge [sflag:s18], $0xA00  }
0x50: {  	[sflag:s18] =	ssyncset.done $0x0  }
0x51: {  	s12 =	rddreg [dreg:$0x15];
	[sflag:s18] =	ssyncadd.s32 $0xFFFFF600  }
0x52: {  	[spmem:s12] =	stream.linear.scatter [tilespmem:s17], [sflag:$0x7], $0x2800, $0x38;
	[tilespmem:$0x1FF60] =	vst v63  }
0x53: {  	_ =	swait.ge [sflag:s18], $0x2800  }
0x54: {  	[sflag:s18] =	ssyncset.done $0x0  }
0x55: {  	s15 =	rddreg [dreg:$0x16];
	[sflag:s18] =	ssyncadd.s32 $0xFFFFD800  }
0x56: {  	[spmem:s15] =	stream.linear.scatter [tilespmem:s19], [sflag:$0x7], $0xA00, $0x38;
	[tilespmem:$0x1FF60] =	vst v63  }
0x57: {  	_ =	swait.ge [sflag:s18], $0xA00  }
0x58: {  	[sflag:s18] =	ssyncset.done $0x0  }
0x59: {  	s16 =	rddreg [dreg:$0x17];
	[sflag:s18] =	ssyncadd.s32 $0xFFFFF600  }
0x5a: {  	[spmem:s16] =	stream.linear.scatter [tilespmem:s17], [sflag:$0x7], $0x2800, $0x38;
	[tilespmem:$0x1FF60] =	vst v63  }
0x5b: {  	_ =	swait.ge [sflag:s18], $0x2800  }
0x5c: {  	[sflag:s18] =	ssyncset.done $0x0  }
0x5d: {  	s10 =	rddreg [dreg:$0x18];
	[sflag:s18] =	ssyncadd.s32 $0xFFFFD800  }
0x5e: {  	[spmem:s10] =	stream.linear.scatter [tilespmem:s19], [sflag:$0x7], $0xA00, $0x38;
	[tilespmem:$0x1FF60] =	vst v63  }
0x5f: {  	_ =	swait.ge [sflag:s18], $0xA00  }
0x60: {  	[sflag:s18] =	ssyncset.done $0x0  }
0x61: {  	s11 =	rddreg [dreg:$0x19];
	[sflag:s18] =	ssyncadd.s32 $0xFFFFF600  }
0x62: {  	[spmem:s11] =	stream.linear.scatter [tilespmem:s17], [sflag:$0x7], $0x2800, $0x38;
	[tilespmem:$0x1FF60] =	vst v63  }
0x63: {  	_ =	swait.ge [sflag:s18], $0x2800  }
0x64: {  	[sflag:s18] =	ssyncset.done $0x0  }
0x65: {  	s12 =	rddreg [dreg:$0x1a];
	[sflag:s18] =	ssyncadd.s32 $0xFFFFD800  }
0x66: {  	[spmem:s12] =	stream.linear.scatter [tilespmem:s19], [sflag:$0x7], $0xA00, $0x38;
	[tilespmem:$0x1FF60] =	vst v63  }
0x67: {  	_ =	swait.ge [sflag:s18], $0xA00  }
0x68: {  	[sflag:s18] =	ssyncset.done $0x0  }
0x69: {  	s15 =	rddreg [dreg:$0x1b];
	[sflag:s18] =	ssyncadd.s32 $0xFFFFF600  }
0x6a: {  	[spmem:s15] =	stream.linear.scatter [tilespmem:s17], [sflag:$0x7], $0x2800, $0x38;
	[tilespmem:$0x1FF60] =	vst v63  }
0x6b: {  	_ =	swait.ge [sflag:s18], $0x2800  }
0x6c: {  	[sflag:s18] =	ssyncset.done $0x0  }
0x6d: {  	s16 =	rddreg [dreg:$0x1c];
	[sflag:s18] =	ssyncadd.s32 $0xFFFFD800  }
0x6e: {  	[spmem:s16] =	stream.linear.scatter [tilespmem:s19], [sflag:$0x7], $0xA00, $0x38;
	[tilespmem:$0x1FF60] =	vst v63  }
0x6f: {  	_ =	swait.ge [sflag:s18], $0xA00  }
0x70: {  	[sflag:s18] =	ssyncset.done $0x0  }
0x71: {  	s10 =	rddreg [dreg:$0x1d];
	[sflag:s18] =	ssyncadd.s32 $0xFFFFF600  }
0x72: {  	[spmem:s10] =	stream.linear.scatter [tilespmem:s17], [sflag:$0x7], $0x2800, $0x38;
	[tilespmem:$0x1FF60] =	vst v63  }
0x73: {  	_ =	swait.ge [sflag:s18], $0x2800  }
0x74: {  	[sflag:s18] =	ssyncset.done $0x0  }
0x75: {  	s11 =	rddreg [dreg:$0x1e];
	[sflag:s18] =	ssyncadd.s32 $0xFFFFD800  }
0x76: {  	[spmem:s11] =	stream.linear.scatter [tilespmem:s19], [sflag:$0x7], $0xA00, $0x38;
	[tilespmem:$0x1FF60] =	vst v63  }
0x77: {  	_ =	swait.ge [sflag:s18], $0xA00  }
0x78: {  	[sflag:s18] =	ssyncset.done $0x0  }
0x79: {  	s12 =	rddreg [dreg:$0x1f];
	[sflag:s18] =	ssyncadd.s32 $0xFFFFF600  }
0x7a: {  	[spmem:s12] =	stream.linear.scatter [tilespmem:s17], [sflag:$0x7], $0x2800, $0x38;
	[tilespmem:$0x1FF60] =	vst v63  }
0x7b: {  	_ =	swait.ge [sflag:s18], $0x2800  }
0x7c: {  	s15 =	sld [smem:$0x7F9]  }
0x7d: {  	[sflag:s18] =	ssyncset.done $0x0  }
0x7e: {  	[sflag:s18] =	ssyncadd.s32 $0xFFFFD800  }
0x7f: {  	[spmem:s15] =	stream.linear.scatter [tilespmem:s19], [sflag:$0x7], $0xA00, $0x38;
	[tilespmem:$0x1FF60] =	vst v63  }
0x80: {  	_ =	swait.ge [sflag:s18], $0xA00  }
0x81: {  	s16 =	sld [smem:$0x7FA]  }
0x82: {  	[sflag:s18] =	ssyncset.done $0x0  }
0x83: {  	[sflag:s18] =	ssyncadd.s32 $0xFFFFF600  }
0x84: {  	[spmem:s16] =	stream.linear.scatter [tilespmem:s17], [sflag:$0x7], $0x2800, $0x38;
	[tilespmem:$0x1FF60] =	vst v63  }
0x85: {  	_ =	swait.ge [sflag:s18], $0x2800  }
0x86: {  	s10 =	sld [smem:$0x7FB]  }
0x87: {  	[sflag:s18] =	ssyncset.done $0x0  }
0x88: {  	[sflag:s18] =	ssyncadd.s32 $0xFFFFD800  }
0x89: {  	[spmem:s10] =	stream.linear.scatter [tilespmem:s19], [sflag:$0x7], $0xA00, $0x38;
	[tilespmem:$0x1FF60] =	vst v63  }
0x8a: {  	_ =	swait.ge [sflag:s18], $0xA00  }
0x8b: {  	[sflag:s18] =	ssyncset.done $0x0  }
0x8c: {  	[sflag:s18] =	ssyncadd.s32 $0xFFFFF600  }
0x8d: {  	[bflag:$0x0] =	sbarrier.arrive $0xFFFF  }
0x8e: {  	s9 =	simm.s32 $0x0;
	s10 =	rddreg [dreg:$0x7]  }
0x8f: {  	[tilespmem:s9], [sflag:$0x1] =	stream.linear.gather [hbm4b:s10+s9], $0x58, $0x38;
	[tilespmem:$0x1FF60] =	vst v63  }
0x90: {  	s11 =	rddreg [dreg:$0x8]  }
0x91: {  	[tilespmem:s20], [sflag:$0x1] =	stream.linear.gather [hbm4b:s11+s9], $0x58, $0x38;
	[tilespmem:$0x1FF60] =	vst v63  }
0x92: {  	s12 =	rddreg [dreg:$0x9]  }
0x93: {  	[tilespmem:s19], [sflag:$0x1] =	stream.linear.gather [hbm4b:s12+s9], $0xB00, $0x38;
	[tilespmem:$0x1FF60] =	vst v63  }
0x94: {  	s15 =	rddreg [dreg:$0xa]  }
0x95: {  	[tilespmem:s21], [sflag:$0x4] =	stream.linear.gather [hbm4b:s15+s9], $0x58, $0x38;
	[tilespmem:$0x1FF60] =	vst v63  }
0x96: {  	s16 =	rddreg [dreg:$0xb]  }
0x97: {  	[tilespmem:s22], [sflag:$0x4] =	stream.linear.gather [hbm4b:s16+s9], $0x58, $0x38;
	[tilespmem:$0x1FF60] =	vst v63  }
0x98: {  	s11 =	rddreg [dreg:$0xc]  }
0x99: {  	[tilespmem:s23], [sflag:$0x4] =	stream.linear.gather [hbm4b:s11+s9], $0xB00, $0x38;
	[tilespmem:$0x1FF60] =	vst v63  }
0x9a: {  	_ =	swait.ge [sflag:s24], $0x58  }
0x9b: {  	[sflag:s24] =	ssyncset.done $0x0  }
0x9c: {  	[sflag:s24] =	ssyncadd.s32 $0xFFFFFFA8  }
0x9d: {  	_ =	swait.ge [sflag:s24], $0x58  }
0x9e: {  	[sflag:s24] =	ssyncset.done $0x0  }
0x9f: {  	[sflag:s24] =	ssyncadd.s32 $0xFFFFFFA8  }
0xa0: {  	_ =	swait.ge [sflag:s24], $0xB00  }
0xa1: {  	[sflag:s24] =	ssyncset.done $0x0  }
0xa2: {  	[sflag:s24] =	ssyncadd.s32 $0xFFFFF500  }
0xa3: {  	[tilespmem:s17], [sflag:$0x2] =	stream.indirect.gather [hbm4b:s1+s20], $0x80, s20, s20, $0xb8;
	[tilespmem:$0x1FF60] =	vst v63  }
0xa4: {  	_ =	swait.ge [sflag:s25], $0x58  }
0xa5: {  	[sflag:s25] =	ssyncset.done $0x0  }
0xa6: {  	[sflag:s25] =	ssyncadd.s32 $0xFFFFFFA8  }
0xa7: {  	_ =	swait.ge [sflag:s25], $0x58  }
0xa8: {  	[sflag:s25] =	ssyncset.done $0x0  }
0xa9: {  	[sflag:s25] =	ssyncadd.s32 $0xFFFFFFA8  }
0xaa: {  	_ =	swait.ge [sflag:s25], $0xB00  }
0xab: {  	[sflag:s25] =	ssyncset.done $0x0  }
0xac: {  	[sflag:s25] =	ssyncadd.s32 $0xFFFFF500  }
0xad: {  	[tilespmem:s26], [sflag:$0x5] =	stream.indirect.gather [hbm4b:s1+s20], $0x80, s22, s20, $0xb8;
	[tilespmem:$0x1FF60] =	vst v63  }
0xae: {  	_ =	swait.ge [sflag:s28], $0x2C00  }
0xaf: {  	[sflag:s28] =	ssyncset.done $0x0  }
0xb0: {  	[sflag:s28] =	ssyncadd.s32 $0xFFFFD400  }
0xb1: {  	[spmem:s2] =	stream.indirect.scatter.add.f32 [tilespmem:s17], [sflag:$0x3], $0x80, s5, s20, $0xb8;
	[tilespmem:$0x1FF60] =	vst v63  }
0xb2: {  	_ = 	snop  }
0xb3: {  	[spmem:s3] =	stream.indirect.scatter.add.f32 [tilespmem:s19], [sflag:$0x3], $0x20, s5, s20, $0xb8;
	[tilespmem:$0x1FF60] =	vst v63  }
0xb4: {  	_ =	swait.ge [sflag:s29], $0x2C00  }
0xb5: {  	[sflag:s29] =	ssyncset.done $0x0  }
0xb6: {  	[sflag:s29] =	ssyncadd.s32 $0xFFFFD400  }
0xb7: {  	[spmem:s2] =	stream.indirect.scatter.add.f32 [tilespmem:s26], [sflag:$0x6], $0x80, s21, s20, $0xb8;
	[tilespmem:$0x1FF60] =	vst v63  }
0xb8: {  	_ = 	snop  }
0xb9: {  	[spmem:s3] =	stream.indirect.scatter.add.f32 [tilespmem:s23], [sflag:$0x6], $0x20, s21, s20, $0xb8;
	[tilespmem:$0x1FF60] =	vst v63  }
0xba: {  	_ =	swait.ge [sflag:s30], $0x2C00  }
0xbb: {  	[sflag:s30] =	ssyncset.done $0x0  }
0xbc: {  	[sflag:s30] =	ssyncadd.s32 $0xFFFFD400  }
0xbd: {  	_ =	swait.ge [sflag:s30], $0xB00  }
0xbe: {  	s12 =	sshrl.u32 s14, $0x3;
	[sflag:s30] =	ssyncset.done $0x0  }
0xbf: {  	s11 =	sadd.s32 s6, s12;
	[sflag:s30] =	ssyncadd.s32 $0xFFFFF500  }
0xc0: {  	[tilespmem:s5], [sflag:$0x1] =	stream.linear.gather [hbm4b:s11+s5], $0x58, $0x38;
	[tilespmem:$0x1FF60] =	vst v63  }
0xc1: {  	s10 =	sadd.s32 s7, s12  }
0xc2: {  	[tilespmem:s20], [sflag:$0x1] =	stream.linear.gather [hbm4b:s10+s5], $0x58, $0x38;
	[tilespmem:$0x1FF60] =	vst v63  }
0xc3: {  	_ = 	snop  }
0xc4: {  	[tilespmem:s19], [sflag:$0x1] =	stream.linear.gather [hbm4b:s13+s5], $0xB00, $0x38;
	[tilespmem:$0x1FF60] =	vst v63  }
0xc5: {  	_ =	swait.ge [sflag:s31], $0x2C00  }
0xc6: {  	[sflag:s31] =	ssyncset.done $0x0  }
0xc7: {  	s9 =	smin.u32 s9, $0x6D;
	[sflag:s31] =	ssyncadd.s32 $0xFFFFD400  }
0xc8: {  	s9 =	smul.u32 $0x58, s9;
	_ =	swait.ge [sflag:s31], $0xB00  }
0xc9: {  	s15 =	rddreg [dreg:$0x6]  }
0xca: {  	s10 =	sadd.s32 s9, s15  }
0xcb: {  	[sflag:s31] =	ssyncset.done $0x0;
	s9 =	sshrl.u32 s10, $0x3  }
0xcc: {  	[sflag:s31] =	ssyncadd.s32 $0xFFFFF500;
	s16 =	sadd.s32 s6, s9  }
0xcd: {  	[tilespmem:s21], [sflag:$0x4] =	stream.linear.gather [hbm4b:s16+s5], $0x58, $0x38;
	[tilespmem:$0x1FF60] =	vst v63  }
0xce: {  	s11 =	sadd.s32 $0xB0, s14;
	s10 =	sshll.u32 s10, $0x2;
	s9 =	sadd.s32 s7, s9  }
0xcf: {  	[tilespmem:s22], [sflag:$0x4] =	stream.linear.gather [hbm4b:s9+s5], $0x58, $0x38;
	[tilespmem:$0x1FF60] =	vst v63  }
0xd0: {  	s12 =	sadd.s32 s8, s10;
	s10 =	sadd.s32 $0x2C0, s13;
	s9 =	simm.s32 $0x2  }
.LBB2_4:
0xd1: {  	[tilespmem:s23], [sflag:$0x4] =	stream.linear.gather [hbm4b:s12+s5], $0xB00, $0x38;
	[tilespmem:$0x1FF60] =	vst v63  }
0xd2: {  	_ =	swait.ge [sflag:s24], $0x58  }
0xd3: {  	[sflag:s24] =	ssyncset.done $0x0  }
0xd4: {  	[sflag:s24] =	ssyncadd.s32 $0xFFFFFFA8  }
0xd5: {  	_ =	swait.ge [sflag:s24], $0x58  }
0xd6: {  	[sflag:s24] =	ssyncset.done $0x0  }
0xd7: {  	[sflag:s24] =	ssyncadd.s32 $0xFFFFFFA8  }
0xd8: {  	_ =	swait.ge [sflag:s24], $0xB00  }
0xd9: {  	[sflag:s24] =	ssyncset.done $0x0  }
0xda: {  	[sflag:s24] =	ssyncadd.s32 $0xFFFFF500  }
0xdb: {  	[tilespmem:s17], [sflag:$0x2] =	stream.indirect.gather [hbm4b:s1+s20], $0x80, s20, s20, $0xb8;
	[tilespmem:$0x1FF60] =	vst v63  }
0xdc: {  	_ =	swait.ge [sflag:s25], $0x58  }
0xdd: {  	[sflag:s25] =	ssyncset.done $0x0  }
0xde: {  	[sflag:s25] =	ssyncadd.s32 $0xFFFFFFA8  }
0xdf: {  	_ =	swait.ge [sflag:s25], $0x58  }
0xe0: {  	[sflag:s25] =	ssyncset.done $0x0  }
0xe1: {  	[sflag:s25] =	ssyncadd.s32 $0xFFFFFFA8  }
0xe2: {  	_ =	swait.ge [sflag:s25], $0xB00  }
0xe3: {  	[sflag:s25] =	ssyncset.done $0x0  }
0xe4: {  	[sflag:s25] =	ssyncadd.s32 $0xFFFFF500  }
0xe5: {  	[tilespmem:s26], [sflag:$0x5] =	stream.indirect.gather [hbm4b:s1+s20], $0x80, s22, s20, $0xb8;
	[tilespmem:$0x1FF60] =	vst v63  }
0xe6: {  	_ =	swait.ge [sflag:s28], $0x2C00  }
0xe7: {  	[sflag:s28] =	ssyncset.done $0x0  }
0xe8: {  	[sflag:s28] =	ssyncadd.s32 $0xFFFFD400  }
0xe9: {  	[spmem:s2] =	stream.indirect.scatter.add.f32 [tilespmem:s17], [sflag:$0x3], $0x80, s5, s20, $0xb8;
	[tilespmem:$0x1FF60] =	vst v63  }
0xea: {  	_ = 	snop  }
0xeb: {  	[spmem:s3] =	stream.indirect.scatter.add.f32 [tilespmem:s19], [sflag:$0x3], $0x20, s5, s20, $0xb8;
	[tilespmem:$0x1FF60] =	vst v63  }
0xec: {  	_ =	swait.ge [sflag:s29], $0x2C00  }
0xed: {  	[sflag:s29] =	ssyncset.done $0x0  }
0xee: {  	[sflag:s29] =	ssyncadd.s32 $0xFFFFD400  }
0xef: {  	[spmem:s2] =	stream.indirect.scatter.add.f32 [tilespmem:s26], [sflag:$0x6], $0x80, s21, s20, $0xb8;
	[tilespmem:$0x1FF60] =	vst v63  }
0xf0: {  	_ = 	snop  }
0xf1: {  	[spmem:s3] =	stream.indirect.scatter.add.f32 [tilespmem:s23], [sflag:$0x6], $0x20, s21, s20, $0xb8;
	[tilespmem:$0x1FF60] =	vst v63  }
0xf2: {  	_ =	swait.ge [sflag:s30], $0x2C00  }
0xf3: {  	[sflag:s30] =	ssyncset.done $0x0  }
0xf4: {  	[sflag:s30] =	ssyncadd.s32 $0xFFFFD400  }
0xf5: {  	_ =	swait.ge [sflag:s30], $0xB00  }
0xf6: {  	s15 =	sshrl.u32 s11, $0x3;
	[sflag:s30] =	ssyncset.done $0x0  }
0xf7: {  	s16 =	sadd.s32 s6, s15;
	[sflag:s30] =	ssyncadd.s32 $0xFFFFF500  }
0xf8: {  	[tilespmem:s5], [sflag:$0x1] =	stream.linear.gather [hbm4b:s16+s5], $0x58, $0x38;
	[tilespmem:$0x1FF60] =	vst v63  }
0xf9: {  	s15 =	sadd.s32 s7, s15  }
0xfa: {  	[tilespmem:s20], [sflag:$0x1] =	stream.linear.gather [hbm4b:s15+s5], $0x58, $0x38;
	[tilespmem:$0x1FF60] =	vst v63  }
0xfb: {  	_ = 	snop  }
0xfc: {  	[tilespmem:s19], [sflag:$0x1] =	stream.linear.gather [hbm4b:s10+s5], $0xB00, $0x38;
	[tilespmem:$0x1FF60] =	vst v63  }
0xfd: {  	_ =	swait.ge [sflag:s31], $0x2C00  }
0xfe: {  	s12 =	smov.u32 s9;
	[sflag:s31] =	ssyncset.done $0x0  }
0xff: {  	s12 =	smin.u32 s12, $0x6D;
	[sflag:s31] =	ssyncadd.s32 $0xFFFFD400  }
0x100: {  	s12 =	smul.u32 $0x58, s12;
	_ =	swait.ge [sflag:s31], $0xB00  }
0x101: {  	p0 =	sne.s32 s9, $0x6E;
	s16 =	rddreg [dreg:$0x6]  }
0x102: {  	s9 =	sadd.s32 $0x2, s9;
	s11 =	sadd.s32 $0xB0, s11;
	s12 =	sadd.s32 s12, s16  }
.Ltmp1:
0x103: {  	[sflag:s31] =	ssyncset.done $0x0;
	s15 =	sshrl.u32 s12, $0x3;
	(pc) =	sbr.rel @p0 .LBB2_4-.Ltmp1, $4  }
0x104: {  	[sflag:s31] =	ssyncadd.s32 $0xFFFFF500;
	s12 =	sshll.u32 s12, $0x2;
	s16 =	sadd.s32 s6, s15  }
0x105: {  	[tilespmem:s21], [sflag:$0x4] =	stream.linear.gather [hbm4b:s16+s5], $0x58, $0x38;
	[tilespmem:$0x1FF60] =	vst v63  }
0x106: {  	s10 =	sadd.s32 $0x2C0, s10;
	s15 =	sadd.s32 s7, s15;
	s12 =	sadd.s32 s8, s12  }
0x107: {  	[tilespmem:s22], [sflag:$0x4] =	stream.linear.gather [hbm4b:s15+s5], $0x58, $0x38;
	[tilespmem:$0x1FF60] =	vst v63  }
0x108: {  	[tilespmem:s23], [sflag:$0x4] =	stream.linear.gather [hbm4b:s12+s5], $0xB00, $0x38;
	[tilespmem:$0x1FF60] =	vst v63  }
0x109: {  	_ =	swait.ge [sflag:s24], $0x58  }
0x10a: {  	[sflag:s24] =	ssyncset.done $0x0  }
0x10b: {  	[sflag:s24] =	ssyncadd.s32 $0xFFFFFFA8  }
0x10c: {  	_ =	swait.ge [sflag:s24], $0x58  }
0x10d: {  	[sflag:s24] =	ssyncset.done $0x0  }
0x10e: {  	[sflag:s24] =	ssyncadd.s32 $0xFFFFFFA8  }
0x10f: {  	_ =	swait.ge [sflag:s24], $0xB00  }
0x110: {  	[sflag:s24] =	ssyncset.done $0x0  }
0x111: {  	[sflag:s24] =	ssyncadd.s32 $0xFFFFF500  }
0x112: {  	[tilespmem:s17], [sflag:$0x2] =	stream.indirect.gather [hbm4b:s1+s20], $0x80, s20, s20, $0xb8;
	[tilespmem:$0x1FF60] =	vst v63  }
0x113: {  	_ =	swait.ge [sflag:s25], $0x58  }
0x114: {  	[sflag:s25] =	ssyncset.done $0x0  }
0x115: {  	[sflag:s25] =	ssyncadd.s32 $0xFFFFFFA8  }
0x116: {  	_ =	swait.ge [sflag:s25], $0x58  }
0x117: {  	[sflag:s25] =	ssyncset.done $0x0  }
0x118: {  	[sflag:s25] =	ssyncadd.s32 $0xFFFFFFA8  }
0x119: {  	_ =	swait.ge [sflag:s25], $0xB00  }
0x11a: {  	[sflag:s25] =	ssyncset.done $0x0  }
0x11b: {  	s9 =	rddreg [dreg:$0xd];
	[sflag:s25] =	ssyncadd.s32 $0xFFFFF500  }
0x11c: {  	[tilespmem:s21], [sflag:$0x4] =	stream.linear.gather [hbm4b:s9+s5], $0x38, $0x38;
	[tilespmem:$0x1FF60] =	vst v63  }
0x11d: {  	s16 =	rddreg [dreg:$0xf]  }
0x11e: {  	[tilespmem:s22], [sflag:$0x4] =	stream.linear.gather [hbm4b:s16+s5], $0x38, $0x38;
	[tilespmem:$0x1FF60] =	vst v63  }
0x11f: {  	s10 =	rddreg [dreg:$0x10]  }
0x120: {  	[tilespmem:s23], [sflag:$0x4] =	stream.linear.gather [hbm4b:s10+s5], $0x700, $0x38;
	[tilespmem:$0x1FF60] =	vst v63  }
0x121: {  	_ =	swait.ge [sflag:s28], $0x2C00  }
0x122: {  	[sflag:s28] =	ssyncset.done $0x0  }
0x123: {  	[sflag:s28] =	ssyncadd.s32 $0xFFFFD400  }
0x124: {  	[spmem:s2] =	stream.indirect.scatter.add.f32 [tilespmem:s17], [sflag:$0x3], $0x80, s5, s20, $0xb8;
	[tilespmem:$0x1FF60] =	vst v63  }
0x125: {  	_ = 	snop  }
0x126: {  	[spmem:s3] =	stream.indirect.scatter.add.f32 [tilespmem:s19], [sflag:$0x3], $0x20, s5, s20, $0xb8;
	[tilespmem:$0x1FF60] =	vst v63  }
0x127: {  	_ =	swait.ge [sflag:s25], $0x38  }
0x128: {  	[sflag:s25] =	ssyncset.done $0x0  }
0x129: {  	[sflag:s25] =	ssyncadd.s32 $0xFFFFFFC8  }
0x12a: {  	_ =	swait.ge [sflag:s25], $0x38  }
0x12b: {  	[sflag:s25] =	ssyncset.done $0x0  }
0x12c: {  	[sflag:s25] =	ssyncadd.s32 $0xFFFFFFC8  }
0x12d: {  	_ =	swait.ge [sflag:s25], $0x700  }
0x12e: {  	[sflag:s25] =	ssyncset.done $0x0  }
0x12f: {  	[sflag:s25] =	ssyncadd.s32 $0xFFFFF900  }
0x130: {  	[tilespmem:s26], [sflag:$0x5] =	stream.indirect.gather [hbm4b:s1+s0], $0x80, s22, s0, $0xb8;
	[tilespmem:$0x1FF60] =	vst v63  }
0x131: {  	_ =	swait.ge [sflag:s29], $0x1C00  }
0x132: {  	[sflag:s29] =	ssyncset.done $0x0  }
0x133: {  	[sflag:s29] =	ssyncadd.s32 $0xFFFFE400  }
0x134: {  	_ =	swait.ge [sflag:s30], $0x2C00  }
0x135: {  	[sflag:s30] =	ssyncset.done $0x0  }
0x136: {  	[sflag:s30] =	ssyncadd.s32 $0xFFFFD400  }
0x137: {  	_ =	swait.ge [sflag:s30], $0xB00  }
0x138: {  	[sflag:s30] =	ssyncset.done $0x0  }
0x139: {  	[sflag:s30] =	ssyncadd.s32 $0xFFFFF500  }
0x13a: {  	[spmem:s2] =	stream.indirect.scatter.add.f32 [tilespmem:s26], [sflag:$0x6], $0x80, s21, s0, $0xb8;
	[tilespmem:$0x1FF60] =	vst v63  }
0x13b: {  	_ = 	snop  }
0x13c: {  	[spmem:s3] =	stream.indirect.scatter.add.f32 [tilespmem:s23], [sflag:$0x6], $0x20, s21, s0, $0xb8;
	[tilespmem:$0x1FF60] =	vst v63  }
0x13d: {  	_ =	swait.ge [sflag:s31], $0x1C00  }
0x13e: {  	[sflag:s31] =	ssyncset.done $0x0  }
0x13f: {  	[sflag:s31] =	ssyncadd.s32 $0xFFFFE400  }
0x140: {  	_ =	swait.ge [sflag:s31], $0x700  }
0x141: {  	[sflag:s31] =	ssyncset.done $0x0  }
0x142: {  	[sflag:s31] =	ssyncadd.s32 $0xFFFFF900  }
0x143: {  	s11 =	stileid.u32;
	[bflag:$0x0] =	sbarrier.arrive $0xFFFF  }
0x144: {  	s9 =	sshll.u32 s11, $0x6;
	s11 =	sld [smem:$0x7FC];
	_ =	sdelay $0x1  }
0x145: {  	s9 =	sor.u32 $0x1C07, s9;
	s10 =	rddreg [dreg:$0x11]  }
0x146: {  	[hbm:s10], [sflag:s9] =	dma.local [spmem:s11], $0x2800  }
0x147: {  	_ =	swait.ge [sflag:s18], $0x2800  }
0x148: {  	s15 =	sld [smem:$0x7FD]  }
0x149: {  	[sflag:s18] =	ssyncset.done $0x0  }
0x14a: {  	s12 =	rddreg [dreg:$0xe];
	[sflag:s18] =	ssyncadd.s32 $0xFFFFD800  }
0x14b: {  	[hbm:s12], [sflag:s9] =	dma.local [spmem:s15], $0xA00  }
0x14c: {  	_ =	swait.ge [sflag:s18], $0xA00  }
0x14d: {  	s4 =	sadd.s32 $0x1, s4;
	s16 =	rddreg [dreg:$0x12]  }
0x14e: {  	p0 =	sne.s32 s4, s16  }
.Ltmp2:
0x14f: {  	_ = 	snop;
	(pc) =	sbr.rel @p0 .LBB2_1-.Ltmp2, $3  }
0x150: {  	_ =	sdelay $0x1  }
0x151: {  	[sflag:s18] =	ssyncset.done $0x0  }
0x152: {  	[sflag:s18] =	ssyncadd.s32 $0xFFFFF600  }
0x153: {  	_ =	sfence.sel $0x180000  }
0x154: {  	[bflag:$0x0] =	sbarrier.arrive $0xFFFF  }
0x155: {  	_ =	strace $0x9000004A  }
0x156: {  	s0 =	stileid.u32;
	[bflag:$0x2] =	sbarrier.arrive $0xFFFF  }
0x157: {  	p0 =	sne.s32 s0, $0x0;
	s0 =	rddreg [dreg:$0x5]  }
0x158: {  	s0 =	sadd.s32 @!p0 $0x100000, s0  }
0x159: {  	[sflag:s0] =	ssyncadd.tile.s32 @!p0 $0x1;
	_ =	shalt  }
.Lfunc_end2:
_tile_overlayer_lowered:
.L_overlay_start_2:
0x15a: {  	(tag) =	ssettag $0x2  }
0x15b: {  	s0 =	rddreg [dreg:$0x0];
	s2 =	stileid.u32  }
0x15c: {  	s1 =	rddreg [dreg:$0x1];
	p0 =	sne.s32 s2, $0x0  }
0x15d: {  	s3 =	rddreg [dreg:$0x2];
	[bflag:$0x3] =	sbarrier.arrive $0xFFFF;
	s2 =	simm.s32 @!p0 $0x1C07  }
0x15e: {  	[timem:s3], [sflag:s2] =	dma.local @!p0 [hbm:s0], s1  }
0x15f: {  	s0 =	simm.s32 @!p0 $0x7  }
0x160: {  	_ =	swait.ge @!p0 [sflag:s0], s1  }
0x161: {  	s1 =	ssub.s32 @!p0 $0x0, s1;
	[sflag:s0] =	ssyncset.done @!p0 $0x0  }
0x162: {  	[sflag:s0] =	ssyncadd.s32 @!p0 s1  }
0x163: {  	[bflag:$0x3] =	sbarrier.arrive $0xFFFF  }
0x164: {  	_ =	shalt  }

// kernel: sparse-core-data-format-call.cloned.1.call-start
scs
called_computation_lowered:
.L_overlay_start_0:
0x0: {  	s1 =	sld [smem:$0x3FD9]  }
0x1: {  	s2 =	sld [smem:$0x3FFE];
	_ =	sdelay $0x1  }
0x2: {  	s3 =	srdreg.scid  }
0x3: {  	s0 =	sand.u32 $0x1, s3  }
0x4: {  	s17 =	sshll.u32 s0, $0xA;
	s1 =	sadd.s32 s2, s1  }
0x5: {  	s1 =	sadd.s32 s1, s17  }
0x6: {  	[smem:$0x3FC0] =	sst s1  }
0x7: {  	_ = 	snop  }
0x8: {  	(tm) =	ssettm $0x1  }
0x9: {  	s18 =	sld [smem:$0x3FFB];
	_ =	sdelay $0x3  }
0xa: {  	_ =	strace s18  }
0xb: {  	s1 =	sld [smem:$0x3FFC];
	_ =	sdelay $0x3  }
0xc: {  	_ =	strace s1  }
0xd: {  	s1 =	sld [smem:$0x3FFD];
	_ =	sdelay $0x3  }
0xe: {  	_ =	strace s1  }
0xf: {  	_ =	strace $0x8FFFFFFF  }
0x10: {  	s19 =	sld [smem:$0x3FDB];
	_ =	sdelay $0x1  }
0x11: {  	s20 =	simm.s32 $_scs_section_size  }
0x12: {  	s4 =	simm.s32 $_size__tile_overlayer_lowered;
	s5 =	simm.s32 $_tile_overlayer_lowered  }
0x13: {  	s23 =	simm.s32 $0x1BFF;
	s22 =	sshll.u32 s5, $0x1;
	s1 =	sadd.s32 s20, s19  }
0x14: {  	s6 =	simm.s32 $0x0;
	s21 =	sshll.u32 s4, $0x1;
	s4 =	sadd.s32 s22, s1  }
0x15: {  	[timem:s6], [sflag:s23] =	dma.local [hbm:s4], s21  }
0x16: {  	_ =	swait.ge [sflag:s23], s21  }
0x17: {  	s2 =	ssub.s32 $0x0, s21;
	[sflag:s23] =	ssyncset.done $0x0  }
0x18: {  	[sflag:s23] =	ssyncadd.s32 s2;
	_ =	sdelay $0x1  }
0x19: {  	s24 =	simm.s32 $0x1B8B  }
0x1a: {  	_ =	swait.ge [sflag:s24], $0x1  }
0x1b: {  	[sflag:s24] =	ssyncset.done $0x0  }
0x1c: {  	s26 =	simm.s32 $0x1B8E;
	s25 =	sld [smem:$0x3FFE];
	[sflag:s24] =	ssyncadd.s32 $0xFFFFFFFF  }
0x1d: {  	s27 =	simm.s32 $execute0_lowered;
	[smem:$0x3FD2] =	sst s26  }
0x1e: {  	s4 =	sshll.u32 s27, $0x1;
	_ =	strace $0x80000046;
	[dreg:$0x1] =	wrdreg $0xFFFFFFFF  }
0x1f: {  	s28 =	simm.s32 $_size_execute0_lowered;
	s1 =	sadd.s32 s1, s4;
	[dreg:$0x0] =	wrdreg $0x0  }
0x20: {  	s4 =	sshll.u32 s28, $0x1;
	[dreg:$0x2] =	wrdreg s1  }
0x21: {  	[dreg:$0x3] =	wrdreg s4  }
0x22: {  	[dreg:$0x4] =	wrdreg $0xC0  }
0x23: {  	_ =	task [dreg:s6], $0x5FFFF  }
0x24: {  	[dreg:$0x1] =	wrdreg $0xFFFFFFFF  }
0x25: {  	[dreg:$0x0] =	wrdreg $0x60  }
0x26: {  	[dreg:$0x2] =	wrdreg s25  }
0x27: {  	[dreg:$0x3] =	wrdreg $0x9  }
0x28: {  	_ =	task.clear_ibuf [dreg:s6], $0x4FFFF;
	_ =	strace $0x90000046  }
0x29: {  	s29 =	simm.s32 $0x9;
	_ =	strace $0x80000048  }
0x2a: {  	_ =	swait.ge [sflag:s29], $0x1  }
0x2b: {  	[sflag:s29] =	ssyncadd.s32 $0xFFFFFFFF  }
0x2c: {  	_ =	strace $0x90000048  }
0x2d: {  	_ =	sfence  }
0x2e: {  	s30 =	sld [smem:$0x0];
	_ =	sdelay $0x2  }
0x2f: {  	s31 =	sshll.u32 s3, $0xD;
	s3 =	sshrl.u32 s3, $0x2  }
0x30: {  	s2 =	sand.u32 $0x4000, s31;
	s1 =	sadd.s32 s3, s30  }
0x31: {  	s0 =	sor.u32 s2, s0;
	s1 =	sshll.u32 s1, $0x11  }
0x32: {  	s0 =	sor.u32 s1, s0  }
0x33: {  	s0 =	sadd.s32 $0x8F2B, s0  }
0x34: {  	[sflag:s0] =	ssyncadd.remote.s32 $0x1  }
0x35: {  	_ =	sfence.sel $0xFFFF  }
0x36: {  	[dreg:$0x0] =	wrdreg $0xFFFFFFFF;
	(pc) =	sbr.abs _section_cstart, $3  }
0x37: {  	[dreg:$0x1] =	wrdreg $0xFFFFFFFF  }
0x38: {  	_ =	task.clear_ibuf [dreg:s6], $0x2FFFF;
	_ =	strace $0x9FFFFFFF  }
0x39: {  	(tm) =	ssettm $0x7FFFFFFF  }
tec
execute0_lowered:
.L_overlay_start_1:
0x0: {  	(tag) =	ssettag $0x1  }
0x1: {  	s0 =	srdreg.scid  }
0x2: {  	s6 =	rddreg [dreg:$0x0];
	s7 =	simm.s32 $0x1;
	s1 =	sshll.u32 s0, $0x4  }
0x3: {  	s8 =	simm.s32 $0x2;
	s0 =	stileid.u32;
	s1 =	sand.u32 $0x10, s1  }
0x4: {  	s13 =	simm.s32 $0x0;
	s12 =	simm.s32 $0x0;
	s1 =	sor.u32 s0, s1  }
0x5: {  	s10 =	simm.s32 $0x0;
	s11 =	simm.s32 $0x0;
	s2 =	sshll.u32 s1, $0x9  }
0x6: {  	s3 =	sadd.s32 $0x1800, s6;
	s6 =	sadd.s32 $0x13A000, s6;
	s5 =	ssub.s32 $0x4E200, s2  }
.Ltmp0:
0x7: {  	s1 =	rddreg [dreg:$0x1];
	s4 =	sand.u32 $0x3E00, s5;
	(pc) =	sbr.rel .LBB1_1-.Ltmp0, $4  }
0x8: {  	_ =	strace $0x80000047;
	s9 =	smov.u32 s2;
	p0 =	sne.s32 s4, $0x0  }
0x9: {  	s5 =	sshrl.u32 s5, $0xE;
	s4 =	simm.s32 $0x1;
	s7 =	simm.s32 @!p0 $0x0  }
0xa: {  	[sflag:s4] =	ssyncpa.u1 $0x0;
	p0 =	por $0x0, $0x0;
	s5 =	sadd.s32 s7, s5  }
0xb: {  	[sflag:s8] =	ssyncpa.u1 $0x0;
	s8 =	simm.s32 $0x80;
	s7 =	sadd.s32 $0x1, s5  }
.LBB1_4:
0xc: {  	_ = 	snop  }
0xd: {  	[tilespmem:s18+$0x2D60 ss:$0x21] =	vst.msk $0xffff, v7  }
0xe: {  	[tilespmem:s18+$0x2F70 ss:$0x21] =	vst.msk $0xffff, v6  }
0xf: {  	[tilespmem:s18+$0x3390 ss:$0x21] =	vst.msk $0xffff, v3  }
0x10: {  	s21 =	sor.u32 s24, s23;
	v31 =	vld.idx.msk [tilespmem:v0+s16+$0xC70 ss:$0x1], $0xffff;
	[tilespmem:s18+$0x35A0 ss:$0x21] =	vst.msk $0xffff, v1  }
0x11: {  	[tilespmem:s18+$0x37B0 ss:$0x21] =	vst.msk $0xffff, v2;
	v43 =	vld.idx.msk [tilespmem:v0+s21+$0x410 ss:$0x1], $0xffff  }
0x12: {  	[tilespmem:s18+$0x39C0 ss:$0x21] =	vst.msk $0xffff, v4;
	v44 =	vld.idx.msk [tilespmem:v0+s21+$0x420 ss:$0x1], $0xffff  }
0x13: {  	[tilespmem:s18+$0x3BD0 ss:$0x21] =	vst.msk $0xffff, v5;
	s22 =	sand.u32 $0x3200, s21;
	v45 =	vld.idx.msk [tilespmem:v0+s21+$0x430 ss:$0x1], $0xffff  }
0x14: {  	s20 =	sand.u32 $0x180, s20;
	s25 =	sshra.s32 s19, $0x2;
	[tilespmem:s18+$0x3DE0 ss:$0x21] =	vst.msk $0xffff, v8;
	v46 =	vld.idx.msk [tilespmem:v0+s21+$0x440 ss:$0x1], $0xffff;
	s15 =	sadd.s32 s22, s15  }
0x15: {  	v47 =	vld.idx.msk [tilespmem:v0+s21+$0x450 ss:$0x1], $0xffff;
	s24 =	sadd.s32 s20, s15;
	s15 =	sadd.s32 s25, s17;
	[tilespmem:s18+$0x3FF0 ss:$0x21] =	vst.msk $0xffff, v31  }
0x16: {  	v48 =	vld.idx.msk [tilespmem:v0+s21+$0x460 ss:$0x1], $0xffff;
	[tilespmem:s15+$0x1290 ss:$0x21] =	vst.msk $0xffff, v43  }
0x17: {  	v49 =	vld.idx.msk [tilespmem:v0+s21+$0x470 ss:$0x1], $0xffff;
	[tilespmem:s15+$0x14A0 ss:$0x21] =	vst.msk $0xffff, v44  }
0x18: {  	v50 =	vld.idx.msk [tilespmem:v0+s21+$0x810 ss:$0x1], $0xffff;
	[tilespmem:s15+$0x16B0 ss:$0x21] =	vst.msk $0xffff, v45  }
0x19: {  	v51 =	vld.idx.msk [tilespmem:v0+s21+$0x820 ss:$0x1], $0xffff;
	[tilespmem:s15+$0x18C0 ss:$0x21] =	vst.msk $0xffff, v46  }
0x1a: {  	v52 =	vld.idx.msk [tilespmem:v0+s21+$0x830 ss:$0x1], $0xffff;
	[tilespmem:s15+$0x1AD0 ss:$0x21] =	vst.msk $0xffff, v47  }
0x1b: {  	v53 =	vld.idx.msk [tilespmem:v0+s21+$0x840 ss:$0x1], $0xffff;
	[tilespmem:s15+$0x1CE0 ss:$0x21] =	vst.msk $0xffff, v48  }
0x1c: {  	v54 =	vld.idx.msk [tilespmem:v0+s21+$0x850 ss:$0x1], $0xffff;
	[tilespmem:s15+$0x1EF0 ss:$0x21] =	vst.msk $0xffff, v49  }
0x1d: {  	v55 =	vld.idx.msk [tilespmem:v0+s21+$0x860 ss:$0x1], $0xffff;
	[tilespmem:s15+$0x2310 ss:$0x21] =	vst.msk $0xffff, v50  }
0x1e: {  	v56 =	vld.idx.msk [tilespmem:v0+s21+$0x870 ss:$0x1], $0xffff;
	[tilespmem:s15+$0x2520 ss:$0x21] =	vst.msk $0xffff, v51  }
0x1f: {  	v57 =	vld.idx.msk [tilespmem:v0+s21+$0xC10 ss:$0x1], $0xffff;
	[tilespmem:s15+$0x2730 ss:$0x21] =	vst.msk $0xffff, v52  }
0x20: {  	v58 =	vld.idx.msk [tilespmem:v0+s21+$0xC20 ss:$0x1], $0xffff;
	[tilespmem:s15+$0x2940 ss:$0x21] =	vst.msk $0xffff, v53  }
0x21: {  	v59 =	vld.idx.msk [tilespmem:v0+s21+$0xC30 ss:$0x1], $0xffff;
	[tilespmem:s15+$0x2B50 ss:$0x21] =	vst.msk $0xffff, v54  }
0x22: {  	v60 =	vld.idx.msk [tilespmem:v0+s21+$0xC40 ss:$0x1], $0xffff;
	[tilespmem:s15+$0x2D60 ss:$0x21] =	vst.msk $0xffff, v55  }
0x23: {  	v61 =	vld.idx.msk [tilespmem:v0+s21+$0xC50 ss:$0x1], $0xffff;
	[tilespmem:s15+$0x2F70 ss:$0x21] =	vst.msk $0xffff, v56  }
0x24: {  	v62 =	vld.idx.msk [tilespmem:v0+s21+$0xC60 ss:$0x1], $0xffff;
	[tilespmem:s15+$0x3390 ss:$0x21] =	vst.msk $0xffff, v57  }
0x25: {  	v63 =	vld.idx.msk [tilespmem:v0+s21+$0xC70 ss:$0x1], $0xffff;
	[tilespmem:s15+$0x35A0 ss:$0x21] =	vst.msk $0xffff, v58  }
0x26: {  	v32 =	vld [tilespmem:s24+$0xC00];
	[tilespmem:s15+$0x37B0 ss:$0x21] =	vst.msk $0xffff, v59  }
0x27: {  	v33 =	vld [tilespmem:s24+$0x0];
	[tilespmem:s15+$0x39C0 ss:$0x21] =	vst.msk $0xffff, v60  }
0x28: {  	v34 =	vld [tilespmem:s24+$0x10];
	[tilespmem:s15+$0x3BD0 ss:$0x21] =	vst.msk $0xffff, v61  }
0x29: {  	s13 =	sshll.u32 s13, $0x7;
	s26 =	sshll.u32 s12, $0x3;
	v35 =	vld [tilespmem:s24+$0x20];
	[tilespmem:s15+$0x3DE0 ss:$0x21] =	vst.msk $0xffff, v62  }
0x2a: {  	s27 =	sand.u32 $0xFFFFFC00, s13;
	s16 =	sand.u32 $0xFFFFFC00, s26;
	v36 =	vld [tilespmem:s24+$0x30];
	[tilespmem:s15+$0x3FF0 ss:$0x21] =	vst.msk $0xffff, v63  }
0x2b: {  	s13 =	sand.u32 $0x380, s13;
	s16 =	sadd.s32 s16, s27;
	v37 =	vld [tilespmem:s24+$0x40];
	[tilespmem:s15+$0x3180 ss:$0x21] =	vst.msk $0xffff, v32  }
0x2c: {  	s13 =	sor.u32 s13, s16;
	v38 =	vld [tilespmem:s24+$0x50];
	[tilespmem:s15+$0x0 ss:$0x21] =	vst.msk $0xffff, v33  }
0x2d: {  	v39 =	vld [tilespmem:s24+$0x60];
	s13 =	sshrl.u32 s13, $0x7;
	[tilespmem:s15+$0x210 ss:$0x21] =	vst.msk $0xffff, v34  }
0x2e: {  	v40 =	vld [tilespmem:s24+$0x70];
	s28 =	smulhi.u32 $0x1A36E2F, s13;
	[tilespmem:s15+$0x420 ss:$0x21] =	vst.msk $0xffff, v35  }
0x2f: {  	v41 =	vld [tilespmem:s24+$0x400];
	[tilespmem:s15+$0x630 ss:$0x21] =	vst.msk $0xffff, v36  }
0x30: {  	v42 =	vld [tilespmem:s24+$0x800];
	s16 =	sshrl.u32 s28, $0xB;
	[tilespmem:s15+$0x840 ss:$0x21] =	vst.msk $0xffff, v37  }
0x31: {  	s16 =	smul.u32 $0x4E200, s16;
	[tilespmem:s15+$0xA50 ss:$0x21] =	vst.msk $0xffff, v38  }
0x32: {  	s29 =	sshrl.u32 s12, $0x3;
	[tilespmem:s15+$0xC60 ss:$0x21] =	vst.msk $0xffff, v39  }
0x33: {  	s31 =	sand.u32 $0x7, s12;
	s30 =	sand.u32 $0xF, s29;
	[tilespmem:s15+$0xE70 ss:$0x21] =	vst.msk $0xffff, v40;
	s13 =	ssub.s32 s13, s16  }
0x34: {  	s12 =	sshll.u32 s31, $0x12;
	[tilespmem:s15+$0x1080 ss:$0x21] =	vst.msk $0xffff, v41;
	s16 =	sadd.s32 s6, s30;
	s13 =	sshll.u32 s13, $0x4  }
0x35: {  	s12 =	sor.u32 $0x20, s12;
	[tilespmem:s15+$0x2100 ss:$0x21] =	vst.msk $0xffff, v42;
	s13 =	sadd.s32 s13, s16  }
0x36: {  	[hbm4b:s13+s12] =	stream.strided.scatter [tilespmem:s14], [sflag:$0x2], $0x4000, s8, s12, $0x10;
	[tilespmem:$0x10400] =	vst v63  }
.LBB1_5:
0x37: {  	s14 =	sadd.s32 $0x4000, s9  }
0x38: {  	s12 =	sadd.s32 $0x20, s10;
	s16 =	smov.u32 s10;
	p2 =	sgt.s32 s14, $0x4E1FF  }
0x39: {  	s16 =	smov.u32 @p2 s12  }
0x3a: {  	s14 =	smov.u32 @p2 s2;
	p2 =	sgt.s32 s16, $0x1F  }
0x3b: {  	s16 =	simm.s32 @p2 $0x0;
	p2 =	sne.s32 s11, s7  }
.Ltmp1:
0x3c: {  	p1 =	slt.u32 s11, $0x2;
	(pc) =	sbr.rel @!p2 .LBB1_6-.Ltmp1, $4  }
0x3d: {  	s15 =	simm.s32 @!p1 $0x2  }
0x3e: {  	s13 =	smov.u32 s9;
	p0 =	por !p0, !p0;
	_ =	swait.ge @!p1 [sflag:s15], $0x4000  }
0x3f: {  	s12 =	smov.u32 s10;
	[sflag:s15] =	ssyncset.done @!p1 $0x0;
	s9 =	smov.u32 s14  }
0x40: {  	s11 =	sadd.s32 $0x1, s11;
	[sflag:s15] =	ssyncadd.s32 @!p1 $0xFFFFC000;
	s10 =	smov.u32 s16  }
.LBB1_1:
0x41: {  	p1 =	sge.u32 s11, s5  }
0x42: {  	s14 =	sshrl.u32 @!p1 s10, $0x3  }
0x43: {  	s15 =	sshll.u32 @!p1 s9, $0x3;
	s14 =	smul.u32 @!p1 $0x271000, s14  }
0x44: {  	s16 =	sshll.u32 @!p1 s10, $0x7;
	s15 =	sand.u32 @!p1 $0xFFFFFC00, s15  }
0x45: {  	s14 =	sadd.s32 @!p1 s14, s15;
	s15 =	sand.u32 @!p1 $0x380, s16  }
0x46: {  	s16 =	sand.u32 @!p1 $0x7F, s9;
	s14 =	sor.u32 @!p1 s15, s14  }
0x47: {  	s15 =	sor.u32 @!p1 s16, s14  }
0x48: {  	s16 =	smulhi.u32 @!p1 $0xD1B71759, s15;
	_ =	sdelay $0x1  }
0x49: {  	s14 =	smulhi.u32 @!p1 $0xD1B71759, s14;
	s16 =	sshrl.u32 @!p1 s16, $0x12  }
0x4a: {  	s16 =	smul.u32 @!p1 $0x4E200, s16  }
0x4b: {  	s31 =	sadd.s32 $0xFFFFFFFF, s11;
	s17 =	sxor.u32 @!p1 $0xFFFFFFFF, s11;
	s14 =	sshrl.u32 @!p1 s14, $0x12  }
0x4c: {  	s17 =	sshll.u32 @!p1 s17, $0xE;
	s14 =	sand.u32 @!p1 $0x1F, s14;
	s15 =	ssub.s32 @!p1 s15, s16  }
0x4d: {  	s14 =	smul.u32 @!p1 $0x9C40, s14;
	s16 =	sshrl.u32 @!p1 s15, $0x3;
	s15 =	sand.u32 @!p1 $0x7, s15  }
0x4e: {  	s17 =	sand.u32 @!p1 $0x4000, s17;
	s16 =	sadd.s32 @!p1 s3, s16;
	s15 =	sshll.u32 @!p1 s15, $0x12  }
0x4f: {  	s14 =	sadd.s32 @!p1 s14, s16;
	s15 =	sor.u32 @!p1 $0x1000, s15;
	s16 =	simm.s32 @!p1 $0x271000  }
0x50: {  	[tilespmem:s17], [sflag:$0x1] =	stream.strided.gather @!p1 [hbm4b:s14+s15], $0x4000, s16, s15, $0x38;
	[tilespmem:$0x10400] =	vst v63  }
0x51: {  	p1 =	sge.u32 s31, s5  }
.Ltmp2:
0x52: {  	_ = 	snop;
	(pc) =	sbr.rel @p1 .LBB1_5-.Ltmp2, $1  }
0x53: {  	_ =	sdelay $0x3  }
0x54: {  	s17 =	simm.s32 $0x0  }
0x55: {  	s16 =	sand.u32 $0x3000, s17;
	s18 =	sand.u32 $0x380, s17  }
0x56: {  	s14 =	sand.u32 $0x1, s11;
	s16 =	sor.u32 s18, s16  }
0x57: {  	_ =	swait.ge [sflag:s4], $0x4000;
	s15 =	sshll.u32 s14, $0xE;
	s18 =	sand.u32 $0x3200, s16  }
0x58: {  	[sflag:s4] =	ssyncset.done $0x0;
	s17 =	sand.u32 $0x180, s17;
	s18 =	sadd.s32 s18, s15  }
0x59: {  	[sflag:s4] =	ssyncadd.s32 $0xFFFFC000;
	s20 =	sadd.s32 s17, s18  }
0x5a: {  	v4 =	vld [tilespmem:s20+$0xC00]  }
0x5b: {  	s19 =	simm.s32 $0x1;
	v0 =	vmov s15;
	v5 =	vld [tilespmem:s20+$0x0]  }
0x5c: {  	s19 =	simm.s32 @!p0 $0x0;
	v6 =	vld [tilespmem:s20+$0x10]  }
0x5d: {  	s31 =	smul.u32 $0x10800, s19;
	v7 =	vld [tilespmem:s20+$0x20]  }
0x5e: {  	v8 =	vld [tilespmem:s20+$0x30]  }
0x5f: {  	s17 =	sshrl.u32 s31, $0x2;
	v9 =	vld [tilespmem:s20+$0x40]  }
0x60: {  	s17 =	sor.u32 $0x8000, s17;
	v1 =	vld.idx.msk [tilespmem:v0+s16+$0x410 ss:$0x1], $0xffff  }
0x61: {  	v2 =	vld.idx.msk [tilespmem:v0+s16+$0x420 ss:$0x1], $0xffff;
	s18 =	sadd.s32 $0x0, s17  }
0x62: {  	v3 =	vld.idx.msk [tilespmem:v0+s16+$0x430 ss:$0x1], $0xffff;
	[tilespmem:s18+$0x3180 ss:$0x21] =	vst.msk $0xffff, v4  }
0x63: {  	v10 =	vld.idx.msk [tilespmem:v0+s16+$0x820 ss:$0x1], $0xffff;
	[tilespmem:s18+$0x0 ss:$0x21] =	vst.msk $0xffff, v5  }
0x64: {  	v11 =	vld.idx.msk [tilespmem:v0+s16+$0x830 ss:$0x1], $0xffff;
	[tilespmem:s18+$0x210 ss:$0x21] =	vst.msk $0xffff, v6  }
0x65: {  	v12 =	vld.idx.msk [tilespmem:v0+s16+$0x840 ss:$0x1], $0xffff;
	[tilespmem:s18+$0x420 ss:$0x21] =	vst.msk $0xffff, v7  }
0x66: {  	v13 =	vld.idx.msk [tilespmem:v0+s16+$0x850 ss:$0x1], $0xffff;
	[tilespmem:s18+$0x630 ss:$0x21] =	vst.msk $0xffff, v8  }
0x67: {  	v4 =	vld [tilespmem:s20+$0x50];
	[tilespmem:s18+$0x840 ss:$0x21] =	vst.msk $0xffff, v9  }
0x68: {  	v5 =	vld [tilespmem:s20+$0x60];
	[tilespmem:s18+$0x1290 ss:$0x21] =	vst.msk $0xffff, v1  }
0x69: {  	v6 =	vld [tilespmem:s20+$0x70];
	[tilespmem:s18+$0x14A0 ss:$0x21] =	vst.msk $0xffff, v2  }
0x6a: {  	v7 =	vld [tilespmem:s20+$0x400];
	[tilespmem:s18+$0x16B0 ss:$0x21] =	vst.msk $0xffff, v3  }
0x6b: {  	v8 =	vld [tilespmem:s20+$0x800];
	[tilespmem:s18+$0x2520 ss:$0x21] =	vst.msk $0xffff, v10  }
0x6c: {  	v9 =	vld.idx.msk [tilespmem:v0+s16+$0x470 ss:$0x1], $0xffff;
	[tilespmem:s18+$0x2730 ss:$0x21] =	vst.msk $0xffff, v11  }
0x6d: {  	v3 =	vld.idx.msk [tilespmem:v0+s16+$0xC10 ss:$0x1], $0xffff;
	[tilespmem:s18+$0x2940 ss:$0x21] =	vst.msk $0xffff, v12  }
0x6e: {  	v1 =	vld.idx.msk [tilespmem:v0+s16+$0xC20 ss:$0x1], $0xffff;
	[tilespmem:s18+$0x2B50 ss:$0x21] =	vst.msk $0xffff, v13  }
0x6f: {  	v2 =	vld.idx.msk [tilespmem:v0+s16+$0xC30 ss:$0x1], $0xffff;
	[tilespmem:s18+$0xA50 ss:$0x21] =	vst.msk $0xffff, v4  }
0x70: {  	[tilespmem:s18+$0xE70 ss:$0x21] =	vst.msk $0xffff, v6;
	v6 =	vld.idx.msk [tilespmem:v0+s16+$0x460 ss:$0x1], $0xffff  }
0x71: {  	v4 =	vld.idx.msk [tilespmem:v0+s16+$0x440 ss:$0x1], $0xffff;
	[tilespmem:s18+$0xC60 ss:$0x21] =	vst.msk $0xffff, v5  }
0x72: {  	v5 =	vld.idx.msk [tilespmem:v0+s16+$0x450 ss:$0x1], $0xffff;
	[tilespmem:s18+$0x1080 ss:$0x21] =	vst.msk $0xffff, v7  }
0x73: {  	[tilespmem:s18+$0x2100 ss:$0x21] =	vst.msk $0xffff, v8;
	v8 =	vld.idx.msk [tilespmem:v0+s16+$0x810 ss:$0x1], $0xffff  }
0x74: {  	v7 =	vld.idx.msk [tilespmem:v0+s16+$0x860 ss:$0x1], $0xffff;
	[tilespmem:s18+$0x1EF0 ss:$0x21] =	vst.msk $0xffff, v9  }
0x75: {  	s14 =	smul.u32 $0x10800, s14;
	[tilespmem:s18+$0x1CE0 ss:$0x21] =	vst.msk $0xffff, v6;
	v6 =	vld.idx.msk [tilespmem:v0+s16+$0x870 ss:$0x1], $0xffff  }
0x76: {  	s21 =	simm.s32 $0x200;
	s22 =	simm.s32 $0x8;
	[tilespmem:s18+$0x18C0 ss:$0x21] =	vst.msk $0xffff, v4;
	v4 =	vld.idx.msk [tilespmem:v0+s16+$0xC40 ss:$0x1], $0xffff  }
0x77: {  	s23 =	sand.u32 $0x3000, s21;
	s14 =	sshrl.u32 s14, $0x2;
	s20 =	simm.s32 $0x80;
	[tilespmem:s18+$0x1AD0 ss:$0x21] =	vst.msk $0xffff, v5;
	v5 =	vld.idx.msk [tilespmem:v0+s16+$0xC50 ss:$0x1], $0xffff  }
0x78: {  	s19 =	simm.s32 $0x4;
	s14 =	sor.u32 $0x8000, s14;
	s24 =	sand.u32 $0x380, s20;
	[tilespmem:s18+$0x2310 ss:$0x21] =	vst.msk $0xffff, v8;
	v8 =	vld.idx.msk [tilespmem:v0+s16+$0xC60 ss:$0x1], $0xffff  }
.LBB1_3:
0x79: {  	p1 =	sne.s32 s22, $0x7C;
	[tilespmem:s18+$0x2D60 ss:$0x21] =	vst.msk $0xffff, v7;
	v7 =	vld.idx.msk [tilespmem:v0+s16+$0xC70 ss:$0x1], $0xffff;
	s16 =	sor.u32 s24, s23  }
0x7a: {  	s23 =	sand.u32 $0x3200, s16;
	v9 =	vld.idx.msk [tilespmem:v0+s16+$0x410 ss:$0x1], $0xffff;
	[tilespmem:s18+$0x2F70 ss:$0x21] =	vst.msk $0xffff, v6  }
0x7b: {  	s24 =	sand.u32 $0x180, s20;
	s23 =	sadd.s32 s23, s15;
	v6 =	vld.idx.msk [tilespmem:v0+s16+$0x420 ss:$0x1], $0xffff;
	[tilespmem:s18+$0x3390 ss:$0x21] =	vst.msk $0xffff, v3  }
0x7c: {  	s23 =	sadd.s32 s24, s23;
	v3 =	vld.idx.msk [tilespmem:v0+s16+$0x430 ss:$0x1], $0xffff;
	[tilespmem:s18+$0x35A0 ss:$0x21] =	vst.msk $0xffff, v1  }
0x7d: {  	v1 =	vld [tilespmem:s23+$0xC00];
	[tilespmem:s18+$0x37B0 ss:$0x21] =	vst.msk $0xffff, v2  }
0x7e: {  	v2 =	vld [tilespmem:s23+$0x0];
	[tilespmem:s18+$0x39C0 ss:$0x21] =	vst.msk $0xffff, v4  }
0x7f: {  	v4 =	vld [tilespmem:s23+$0x10];
	[tilespmem:s18+$0x3BD0 ss:$0x21] =	vst.msk $0xffff, v5  }
0x80: {  	s24 =	sshra.s32 s19, $0x2;
	s19 =	smov.u32 s22;
	v5 =	vld [tilespmem:s23+$0x20];
	[tilespmem:s18+$0x3DE0 ss:$0x21] =	vst.msk $0xffff, v8  }
0x81: {  	v8 =	vld [tilespmem:s23+$0x30];
	[tilespmem:s18+$0x3FF0 ss:$0x21] =	vst.msk $0xffff, v7;
	s18 =	sadd.s32 s24, s17  }
0x82: {  	v7 =	vld [tilespmem:s23+$0x40];
	[tilespmem:s18+$0x3180 ss:$0x21] =	vst.msk $0xffff, v1  }
0x83: {  	[tilespmem:s18+$0x0 ss:$0x21] =	vst.msk $0xffff, v2;
	v1 =	vld [tilespmem:s23+$0x50]  }
0x84: {  	[tilespmem:s18+$0x210 ss:$0x21] =	vst.msk $0xffff, v4;
	v2 =	vld [tilespmem:s23+$0x60]  }
0x85: {  	[tilespmem:s18+$0x420 ss:$0x21] =	vst.msk $0xffff, v5;
	v4 =	vld [tilespmem:s23+$0x70]  }
0x86: {  	[tilespmem:s18+$0x630 ss:$0x21] =	vst.msk $0xffff, v8;
	v5 =	vld [tilespmem:s23+$0x400]  }
0x87: {  	[tilespmem:s18+$0x840 ss:$0x21] =	vst.msk $0xffff, v7;
	v7 =	vld [tilespmem:s23+$0x800]  }
0x88: {  	[tilespmem:s18+$0xA50 ss:$0x21] =	vst.msk $0xffff, v1;
	v1 =	vld.idx.msk [tilespmem:v0+s16+$0x440 ss:$0x1], $0xffff  }
0x89: {  	[tilespmem:s18+$0xC60 ss:$0x21] =	vst.msk $0xffff, v2;
	v2 =	vld.idx.msk [tilespmem:v0+s16+$0x450 ss:$0x1], $0xffff  }
0x8a: {  	[tilespmem:s18+$0xE70 ss:$0x21] =	vst.msk $0xffff, v4;
	v4 =	vld.idx.msk [tilespmem:v0+s16+$0x460 ss:$0x1], $0xffff  }
0x8b: {  	[tilespmem:s18+$0x1080 ss:$0x21] =	vst.msk $0xffff, v5;
	v5 =	vld.idx.msk [tilespmem:v0+s16+$0x470 ss:$0x1], $0xffff  }
0x8c: {  	[tilespmem:s18+$0x2100 ss:$0x21] =	vst.msk $0xffff, v7;
	v8 =	vld.idx.msk [tilespmem:v0+s16+$0x810 ss:$0x1], $0xffff  }
0x8d: {  	[tilespmem:s18+$0x1290 ss:$0x21] =	vst.msk $0xffff, v9;
	v9 =	vld.idx.msk [tilespmem:v0+s16+$0x820 ss:$0x1], $0xffff  }
0x8e: {  	[tilespmem:s18+$0x14A0 ss:$0x21] =	vst.msk $0xffff, v6;
	v10 =	vld.idx.msk [tilespmem:v0+s16+$0x830 ss:$0x1], $0xffff  }
0x8f: {  	[tilespmem:s18+$0x16B0 ss:$0x21] =	vst.msk $0xffff, v3;
	v11 =	vld.idx.msk [tilespmem:v0+s16+$0x840 ss:$0x1], $0xffff  }
0x90: {  	[tilespmem:s18+$0x18C0 ss:$0x21] =	vst.msk $0xffff, v1;
	v12 =	vld.idx.msk [tilespmem:v0+s16+$0x850 ss:$0x1], $0xffff  }
0x91: {  	[tilespmem:s18+$0x1AD0 ss:$0x21] =	vst.msk $0xffff, v2;
	v7 =	vld.idx.msk [tilespmem:v0+s16+$0x860 ss:$0x1], $0xffff  }
0x92: {  	[tilespmem:s18+$0x1CE0 ss:$0x21] =	vst.msk $0xffff, v4;
	v6 =	vld.idx.msk [tilespmem:v0+s16+$0x870 ss:$0x1], $0xffff  }
0x93: {  	[tilespmem:s18+$0x1EF0 ss:$0x21] =	vst.msk $0xffff, v5;
	v3 =	vld.idx.msk [tilespmem:v0+s16+$0xC10 ss:$0x1], $0xffff  }
.Ltmp3:
0x94: {  	[tilespmem:s18+$0x2310 ss:$0x21] =	vst.msk $0xffff, v8;
	v1 =	vld.idx.msk [tilespmem:v0+s16+$0xC20 ss:$0x1], $0xffff;
	(pc) =	sbr.rel @p1 .LBB1_3-.Ltmp3, $4  }
0x95: {  	[tilespmem:s18+$0x2520 ss:$0x21] =	vst.msk $0xffff, v9;
	v2 =	vld.idx.msk [tilespmem:v0+s16+$0xC30 ss:$0x1], $0xffff  }
0x96: {  	[tilespmem:s18+$0x2730 ss:$0x21] =	vst.msk $0xffff, v10;
	v4 =	vld.idx.msk [tilespmem:v0+s16+$0xC40 ss:$0x1], $0xffff  }
0x97: {  	s20 =	sadd.s32 $0x80, s20;
	s21 =	sadd.s32 $0x200, s21;
	[tilespmem:s18+$0x2940 ss:$0x21] =	vst.msk $0xffff, v11;
	v5 =	vld.idx.msk [tilespmem:v0+s16+$0xC50 ss:$0x1], $0xffff  }
0x98: {  	s22 =	sadd.s32 $0x4, s22;
	s24 =	sand.u32 $0x380, s20;
	s23 =	sand.u32 $0x3000, s21;
	[tilespmem:s18+$0x2B50 ss:$0x21] =	vst.msk $0xffff, v12;
	v8 =	vld.idx.msk [tilespmem:v0+s16+$0xC60 ss:$0x1], $0xffff  }
.Ltmp4:
0x99: {  	_ = 	snop;
	(pc) =	sbr.rel .LBB1_4-.Ltmp4, $1  }
0x9a: {  	_ =	sdelay $0x3  }
.LBB1_6:
0x9b: {  	_ =	sfence.sel $0x180000  }
0x9c: {  	s2 =	simm.s32 $0x1;
	[bflag:$0x0] =	sbarrier.arrive $0xFFFF  }
0x9d: {  	s31 =	simm.s32 $0x2;
	[sflag:s2] =	ssyncpa.u1 $0x1  }
0x9e: {  	[sflag:s31] =	ssyncpa.u1 $0x1  }
0x9f: {  	p0 =	sne.s32 s0, $0x0;
	_ =	strace $0x90000047  }
0xa0: {  	s0 =	sadd.s32 @!p0 $0x100000, s1;
	[bflag:$0x2] =	sbarrier.arrive $0xFFFF  }
0xa1: {  	[sflag:s0] =	ssyncadd.tile.s32 @!p0 $0x1;
	_ =	shalt  }
.Lfunc_end1:
_tile_overlayer_lowered:
.L_overlay_start_2:
0xa2: {  	(tag) =	ssettag $0x2  }
0xa3: {  	s0 =	rddreg [dreg:$0x0];
	s2 =	stileid.u32  }
0xa4: {  	s1 =	rddreg [dreg:$0x1];
	p0 =	sne.s32 s2, $0x0  }
0xa5: {  	s3 =	rddreg [dreg:$0x2];
	[bflag:$0x3] =	sbarrier.arrive $0xFFFF;
	s2 =	simm.s32 @!p0 $0x1C01  }
0xa6: {  	[timem:s3], [sflag:s2] =	dma.local @!p0 [hbm:s0], s1  }
0xa7: {  	s0 =	simm.s32 @!p0 $0x1  }
0xa8: {  	_ =	swait.ge @!p0 [sflag:s0], s1  }
0xa9: {  	s1 =	ssub.s32 @!p0 $0x0, s1;
	[sflag:s0] =	ssyncset.done @!p0 $0x0  }
0xaa: {  	[sflag:s0] =	ssyncadd.s32 @!p0 s1  }
0xab: {  	[bflag:$0x3] =	sbarrier.arrive $0xFFFF  }
0xac: {  	_ =	shalt  }

</sc_bundles>
